<compile_context>
chip_gen: v7x
topology: tpu7x:2x2x1
jax: 0.10.2.dev20260603
libtpu: 0.0.44.dev20260713+nightly
codegen_flags: <defaults>
</compile_context>

<pallas_src>
import functools

import jax
import jax.numpy as jnp
from jax import lax
from jax.experimental import pallas as pl
from jax.experimental.pallas import tpu as pltpu
from jax.experimental.pallas import tpu_sc as plsc

N_NODES = 10000
N_EDGES = 320000
D_IN = 128
D_OUT = 128

NC = 2
NS = 16
L = 16

D0 = 64
DH = D0 + L
C = 64
N_CHUNKS = 5120
CH_PER_W = N_CHUNKS // NS
NBUF = 4
IDX_BLK = 40
N_BLK_W = CH_PER_W // IDX_BLK
E_PAD = N_CHUNKS * C
N_PAD_ROWS = 240
N_T = N_NODES + N_PAD_ROWS
ZB_ROWS = C
N_ZCH = N_T // ZB_ROWS

ROWS_PER_SUB = N_T // NS
STAGE_MAIN = 640
STAGE_LAST = N_NODES - (NS - 1) * STAGE_MAIN


def _sc_accumulate(xh, src2d, dst2d):
    mesh = plsc.VectorSubcoreMesh(core_axis_name="c", subcore_axis_name="s")

    @functools.partial(
        pl.kernel,
        mesh=mesh,
        compiler_params=pltpu.CompilerParams(use_tc_tiling_on_sc=False),
        out_type=jax.ShapeDtypeStruct((NC, N_T, DH), jnp.float32),
        scratch_types=[
            pltpu.VMEM((IDX_BLK, C), jnp.int32),
            pltpu.VMEM((IDX_BLK, C), jnp.int32),
            [pltpu.VMEM((C, DH), jnp.float32)] * NBUF,
            pltpu.VMEM_SHARED((N_NODES, DH), jnp.float32),
            pltpu.VMEM_SHARED((N_T, DH), jnp.float32),
            [pltpu.SemaphoreType.DMA] * NBUF,
            pltpu.SemaphoreType.DMA,
        ],
    )
    def sc_kernel(xh_hbm, src_hbm, dst_hbm, out_hbm, src_v, dst_v,
                  rows, table, acc, gsem, ssem):
        c = lax.axis_index("c")
        s = lax.axis_index("s")

        @pl.when(s < NS - 1)
        def _():
            pltpu.sync_copy(
                xh_hbm.at[c, pl.ds(s * STAGE_MAIN, STAGE_MAIN)],
                table.at[pl.ds(s * STAGE_MAIN, STAGE_MAIN)],
            )

        @pl.when(s == NS - 1)
        def _():
            pltpu.sync_copy(
                xh_hbm.at[c, pl.ds((NS - 1) * STAGE_MAIN, STAGE_LAST)],
                table.at[pl.ds((NS - 1) * STAGE_MAIN, STAGE_LAST)],
            )

        zvec = jnp.zeros((L,), jnp.float32)

        def zero_rows(k, _):
            i = k // (DH // L)
            j = k % (DH // L)
            rows[0][i, pl.ds(j * L, L)] = zvec
            return 0

        lax.fori_loop(0, ZB_ROWS * (DH // L), zero_rows, 0)

        def zero_acc(t, _):
            ch = s + NS * t
            pltpu.sync_copy(rows[0], acc.at[pl.ds(ch * ZB_ROWS, ZB_ROWS)])
            return 0

        lax.fori_loop(0, N_ZCH // NS, zero_acc, 0)
        plsc.subcore_barrier()

        def start_gather(ch, b):
            return pltpu.async_copy(table.at[src_v.at[ch]], rows[b],
                                    gsem[b])

        def wait_gather(ch, b):
            pltpu.make_async_copy(table.at[src_v.at[ch]], rows[b],
                                  gsem[b]).wait()

        def idx_block(h, _):
            base = s * CH_PER_W + h * IDX_BLK
            pltpu.sync_copy(src_hbm.at[pl.ds(base, IDX_BLK)], src_v)
            pltpu.sync_copy(dst_hbm.at[pl.ds(base, IDX_BLK)], dst_v)
            for b in range(NBUF - 1):
                start_gather(b, b)

            def chunk_group(k, _):
                for b in range(NBUF):
                    ch = NBUF * k + b
                    wait_gather(ch, b)
                    sc = pltpu.async_copy(rows[b], acc.at[dst_v.at[ch]],
                                          ssem, add=True)
                    sc.wait()
                    @pl.when(ch + NBUF - 1 < IDX_BLK)
                    def _():
                        start_gather(ch + NBUF - 1, (b + NBUF - 1) % NBUF)
                return 0

            lax.fori_loop(0, IDX_BLK // NBUF, chunk_group, 0)
            return 0

        lax.fori_loop(0, N_BLK_W, idx_block, 0)
        plsc.subcore_barrier()

        pltpu.sync_copy(
            acc.at[pl.ds(s * ROWS_PER_SUB, ROWS_PER_SUB)],
            out_hbm.at[c, pl.ds(s * ROWS_PER_SUB, ROWS_PER_SUB)],
        )

    return sc_kernel(xh, src2d, dst2d)


R_BLK = 400
N_BLKS = N_NODES // R_BLK


def _tc_body(x_ref, p_ref, w_ref, b_ref, o_ref):
    x = x_ref[...]
    deg = jnp.maximum(p_ref[0][:, D0:D0 + 1], 1.0)
    neigh_a = p_ref[0][:, :D0] / deg
    neigh_b = p_ref[1][:, :D0] / deg
    wx = w_ref[:, :D_IN]
    wn_a = w_ref[:, D_IN:D_IN + D0]
    wn_b = w_ref[:, D_IN + D0:]
    acc = lax.dot_general(x, wx, (((1,), (1,)), ((), ())),
                          preferred_element_type=jnp.float32)
    acc = acc + lax.dot_general(neigh_a, wn_a, (((1,), (1,)), ((), ())),
                                preferred_element_type=jnp.float32)
    acc = acc + lax.dot_general(neigh_b, wn_b, (((1,), (1,)), ((), ())),
                                preferred_element_type=jnp.float32)
    o_ref[...] = jnp.maximum(acc + b_ref[...], 0.0)


def _tc_linear(x, partials, W, b2d):
    return pl.pallas_call(
        _tc_body,
        grid=(N_BLKS,),
        in_specs=[
            pl.BlockSpec((R_BLK, D_IN), lambda i: (i, 0)),
            pl.BlockSpec((NC, R_BLK, DH), lambda i: (0, i, 0)),
            pl.BlockSpec((D_OUT, 2 * D_IN), lambda i: (0, 0)),
            pl.BlockSpec((1, D_OUT), lambda i: (0, 0)),
        ],
        out_specs=pl.BlockSpec((R_BLK, D_OUT), lambda i: (i, 0)),
        out_shape=jax.ShapeDtypeStruct((N_NODES, D_OUT), jnp.float32),
    )(x, partials, W, b2d)


@jax.jit
def kernel(x, edge_index, W, b):
    src = edge_index[0].astype(jnp.int32)
    dst = edge_index[1].astype(jnp.int32)

    n_pad = E_PAD - N_EDGES
    pad_src = jnp.zeros((n_pad,), jnp.int32)
    pad_dst = N_NODES + (jnp.arange(n_pad, dtype=jnp.int32) % N_PAD_ROWS)
    src2d = jnp.concatenate([src, pad_src]).reshape(N_CHUNKS, C)
    dst2d = jnp.concatenate([dst, pad_dst]).reshape(N_CHUNKS, C)

    ones = jnp.ones((N_NODES, L), jnp.float32)
    xh = jnp.stack(
        [jnp.concatenate([x[:, :D0], ones], axis=1),
         jnp.concatenate([x[:, D0:], ones], axis=1)])

    partials = _sc_accumulate(xh, src2d, dst2d)
    return _tc_linear(x, partials, W, b.reshape(1, D_OUT))

# --- scband reference (transcript-rebuilt; emitter-appended) ---
"""Pipeline reference for scband-graph-sageconv-47339129536946 (READ-ONLY COPY).

The authoritative reference and input builder live on the scoring server;
editing this copy changes nothing except your own understanding.
"""

import jax, jax.numpy as jnp
import numpy as np

N_NODES = 10000
N_EDGES = 320000
D_IN = 128
D_OUT = 128

def setup_inputs(seed: int = 0) -> dict:
    key = jax.random.key(seed)
    k_x, k_e, k_w, k_b = jax.random.split(key, 4)
    x = jax.random.normal(k_x, (N_NODES, D_IN), dtype=jnp.float32)
    edge_index = jax.random.randint(k_e, (2, N_EDGES), 0, N_NODES, dtype=jnp.int64)
    # nn.Linear(in_dim*2, out_dim): weight [out, in*2], bias [out]
    bound = 1.0 / np.sqrt(D_IN * 2)
    W = jax.random.uniform(k_w, (D_OUT, D_IN * 2), minval=-bound, maxval=bound, dtype=jnp.float32)
    b = jax.random.uniform(k_b, (D_OUT,), minval=-bound, maxval=bound, dtype=jnp.float32)
    return {"x": x, "edge_index": edge_index, "W": W, "b": b}

def reference(x, edge_index, W, b):
    src = edge_index[0]
    dst = edge_index[1]
    num_nodes = x.shape[0]
    # scatter-add of gathered source features into destination nodes
    msgs = jnp.take(x, src, axis=0)
    agg = jax.ops.segment_sum(msgs, dst, num_segments=num_nodes)
    deg = jax.ops.segment_sum(jnp.ones((dst.shape[0],), dtype=x.dtype), dst, num_segments=num_nodes)
    deg = jnp.clip(deg, 1.0, None)[:, None]
    neigh = agg / deg
    h = jnp.concatenate([x, neigh], axis=-1)
    out = h @ W.T + b
    out = jax.nn.relu(out)
    return out

if __name__ == "__main__":
    import jax
    _d = setup_inputs()
    print(jax.jit(kernel)(*tuple(_d.values())))

</pallas_src>

<mosaic_0001>
#map = affine_map<(d0, d1) -> (0, 0, 0)>
#map1 = affine_map<(d0, d1) -> (0, 0)>
module attributes {stable_mosaic.version = 14 : i64} {
  func.func @sc_kernel(%arg0: i32, %arg1: i32, %arg2: memref<2x10000x80xf32, #tpu.memory_space<hbm>>, %arg3: memref<5120x64xi32, #tpu.memory_space<hbm>>, %arg4: memref<5120x64xi32, #tpu.memory_space<hbm>>, %arg5: memref<2x10240x80xf32, #tpu.memory_space<hbm>>, %arg6: memref<40x64xi32, #tpu.memory_space<vmem>>, %arg7: memref<40x64xi32, #tpu.memory_space<vmem>>, %arg8: memref<64x80xf32, #tpu.memory_space<vmem>>, %arg9: memref<64x80xf32, #tpu.memory_space<vmem>>, %arg10: memref<64x80xf32, #tpu.memory_space<vmem>>, %arg11: memref<64x80xf32, #tpu.memory_space<vmem>>, %arg12: memref<10000x80xf32, #tpu.memory_space<vmem_shared>>, %arg13: memref<10240x80xf32, #tpu.memory_space<vmem_shared>>, %arg14: memref<!tpu.dma_semaphore, #tpu.memory_space<semaphore_mem>>, %arg15: memref<!tpu.dma_semaphore, #tpu.memory_space<semaphore_mem>>, %arg16: memref<!tpu.dma_semaphore, #tpu.memory_space<semaphore_mem>>, %arg17: memref<!tpu.dma_semaphore, #tpu.memory_space<semaphore_mem>>, %arg18: memref<!tpu.dma_semaphore, #tpu.memory_space<semaphore_mem>>) attributes {dimension_semantics = [#tpu.dimension_semantics<core_parallel>, #tpu.dimension_semantics<subcore_parallel>], iteration_bounds = array<i64: 2, 16>, scalar_prefetch = 0 : i64, scratch_operands = 13 : i64, tpu.core_type = #tpu.core_type<sc_vector_subcore>, window_params = [{transform_indices = #map}, {transform_indices = #map1}, {transform_indices = #map1}, {transform_indices = #map}]} {
    %lt3A = arith.constant 15 : i32
    %lt3A_0 = arith.cmpi slt, %arg1, %lt3A : i32
    %convert_element_type3A = arith.extui %lt3A_0 : i1 to i32
    %cond3A = arith.constant 0 : i32
    %cond3A_1 = arith.cmpi ne, %convert_element_type3A, %cond3A : i32
    scf.if %cond3A_1 {
      %mul3A_31 = arith.constant 640 : i32
      %mul3A_32 = arith.muli %arg1, %mul3A_31 : i32
      %mul3A_33 = arith.constant 640 : i32
      %mul3A_34 = arith.muli %arg1, %mul3A_33 : i32
      "tpu.region"() ({
        %run_scoped3A = tpu.sem_alloc : memref<!tpu.dma_semaphore, #tpu.memory_space<semaphore_mem>>
        %dma_start3A = arith.constant 0 : i32
        %dma_start3A_35 = tpu.memref_slice %arg12[%mul3A_34, %dma_start3A] : memref<10000x80xf32, #tpu.memory_space<vmem_shared>> -> memref<640x80xf32, #tpu.memory_space<vmem_shared>>
        %dma_start3A_36 = arith.constant 0 : i32
        %dma_start3A_37 = tpu.memref_slice %arg2[%arg0, %mul3A_32, %dma_start3A_36] : memref<2x10000x80xf32, #tpu.memory_space<hbm>> -> memref<1x640x80xf32, #tpu.memory_space<hbm>>
        %dma_start3A_38 = tpu.memref_squeeze %dma_start3A_37 : memref<1x640x80xf32, #tpu.memory_space<hbm>> -> memref<640x80xf32, #tpu.memory_space<hbm>>
        tpu.enqueue_dma source(%dma_start3A_38 : memref<640x80xf32, #tpu.memory_space<hbm>>) target(%dma_start3A_35 : memref<640x80xf32, #tpu.memory_space<vmem_shared>>) target_semaphore(%run_scoped3A : memref<!tpu.dma_semaphore, #tpu.memory_space<semaphore_mem>>)
        %dma_wait3A = arith.constant 0 : i32
        %dma_wait3A_39 = tpu.memref_slice %arg12[%mul3A_34, %dma_wait3A] : memref<10000x80xf32, #tpu.memory_space<vmem_shared>> -> memref<640x80xf32, #tpu.memory_space<vmem_shared>>
        %dma_wait3A_40 = arith.constant 0 : i32
        %dma_wait3A_41 = tpu.memref_slice %arg2[%arg0, %mul3A_32, %dma_wait3A_40] : memref<2x10000x80xf32, #tpu.memory_space<hbm>> -> memref<1x640x80xf32, #tpu.memory_space<hbm>>
        %dma_wait3A_42 = tpu.memref_squeeze %dma_wait3A_41 : memref<1x640x80xf32, #tpu.memory_space<hbm>> -> memref<640x80xf32, #tpu.memory_space<hbm>>
        tpu.wait_dma2 semaphore(%run_scoped3A : memref<!tpu.dma_semaphore, #tpu.memory_space<semaphore_mem>>) src(%dma_wait3A_42 : memref<640x80xf32, #tpu.memory_space<hbm>>) dst(%dma_wait3A_39 : memref<640x80xf32, #tpu.memory_space<vmem_shared>>)
        tpu.yield
      }) : () -> ()
    } else {
    }
    %eq3A = arith.constant 15 : i32
    %eq3A_2 = arith.cmpi eq, %arg1, %eq3A : i32
    %convert_element_type3A_3 = arith.extui %eq3A_2 : i1 to i32
    %cond3A_4 = arith.constant 0 : i32
    %cond3A_5 = arith.cmpi ne, %convert_element_type3A_3, %cond3A_4 : i32
    scf.if %cond3A_5 {
      "tpu.region"() ({
        %run_scoped3A = tpu.sem_alloc : memref<!tpu.dma_semaphore, #tpu.memory_space<semaphore_mem>>
        %dma_start3A = arith.constant 9600 : i32
        %dma_start3A_31 = arith.constant 0 : i32
        %dma_start3A_32 = tpu.memref_slice %arg12[%dma_start3A, %dma_start3A_31] : memref<10000x80xf32, #tpu.memory_space<vmem_shared>> -> memref<400x80xf32, #tpu.memory_space<vmem_shared>>
        %dma_start3A_33 = arith.constant 9600 : i32
        %dma_start3A_34 = arith.constant 0 : i32
        %dma_start3A_35 = tpu.memref_slice %arg2[%arg0, %dma_start3A_33, %dma_start3A_34] : memref<2x10000x80xf32, #tpu.memory_space<hbm>> -> memref<1x400x80xf32, #tpu.memory_space<hbm>>
        %dma_start3A_36 = tpu.memref_squeeze %dma_start3A_35 : memref<1x400x80xf32, #tpu.memory_space<hbm>> -> memref<400x80xf32, #tpu.memory_space<hbm>>
        tpu.enqueue_dma source(%dma_start3A_36 : memref<400x80xf32, #tpu.memory_space<hbm>>) target(%dma_start3A_32 : memref<400x80xf32, #tpu.memory_space<vmem_shared>>) target_semaphore(%run_scoped3A : memref<!tpu.dma_semaphore, #tpu.memory_space<semaphore_mem>>)
        %dma_wait3A = arith.constant 9600 : i32
        %dma_wait3A_37 = arith.constant 0 : i32
        %dma_wait3A_38 = tpu.memref_slice %arg12[%dma_wait3A, %dma_wait3A_37] : memref<10000x80xf32, #tpu.memory_space<vmem_shared>> -> memref<400x80xf32, #tpu.memory_space<vmem_shared>>
        %dma_wait3A_39 = arith.constant 9600 : i32
        %dma_wait3A_40 = arith.constant 0 : i32
        %dma_wait3A_41 = tpu.memref_slice %arg2[%arg0, %dma_wait3A_39, %dma_wait3A_40] : memref<2x10000x80xf32, #tpu.memory_space<hbm>> -> memref<1x400x80xf32, #tpu.memory_space<hbm>>
        %dma_wait3A_42 = tpu.memref_squeeze %dma_wait3A_41 : memref<1x400x80xf32, #tpu.memory_space<hbm>> -> memref<400x80xf32, #tpu.memory_space<hbm>>
        tpu.wait_dma2 semaphore(%run_scoped3A : memref<!tpu.dma_semaphore, #tpu.memory_space<semaphore_mem>>) src(%dma_wait3A_42 : memref<400x80xf32, #tpu.memory_space<hbm>>) dst(%dma_wait3A_38 : memref<400x80xf32, #tpu.memory_space<vmem_shared>>)
        tpu.yield
      }) : () -> ()
    } else {
    }
    %broadcast_in_dim3A = arith.constant 0.000000e+00 : f32
    %broadcast_in_dim3A_6 = vector.broadcast %broadcast_in_dim3A : f32 to vector<16xf32>
    %scan3A = arith.constant 0 : i32
    %scan3A_7 = arith.constant 0 : i32
    %scan3A_8 = arith.constant 320 : i32
    %scan3A_9 = arith.addi %scan3A_7, %scan3A_8 : i32
    %scan3A_10 = arith.constant 1 : i32
    %scan3A_11 = scf.for %scan3A_31 = %scan3A_7 to %scan3A_9 step %scan3A_10 iter_args(%scan3A_32 = %scan3A) -> (i32)  : i32 {
      %jit3A = arith.constant 5 : i32
      %div3A = arith.divsi %scan3A_31, %jit3A : i32
      %sign3A = arith.constant 0 : i32
      %sign3A_33 = arith.cmpi sgt, %scan3A_31, %sign3A : i32
      %sign3A_34 = arith.extui %sign3A_33 : i1 to i32
      %sign3A_35 = arith.constant 0 : i32
      %sign3A_36 = arith.cmpi slt, %scan3A_31, %sign3A_35 : i32
      %sign3A_37 = arith.extui %sign3A_36 : i1 to i32
      %sign3A_38 = arith.subi %sign3A_34, %sign3A_37 : i32
      %sign3A_39 = arith.constant 0 : i32
      %sign3A_40 = arith.cmpi sgt, %jit3A, %sign3A_39 : i32
      %sign3A_41 = arith.extui %sign3A_40 : i1 to i32
      %sign3A_42 = arith.constant 0 : i32
      %sign3A_43 = arith.cmpi slt, %jit3A, %sign3A_42 : i32
      %sign3A_44 = arith.extui %sign3A_43 : i1 to i32
      %sign3A_45 = arith.subi %sign3A_41, %sign3A_44 : i32
      %ne3A = arith.cmpi ne, %sign3A_38, %sign3A_45 : i32
      %rem3A = arith.remsi %scan3A_31, %jit3A : i32
      %ne3A_46 = arith.constant 0 : i32
      %ne3A_47 = arith.cmpi ne, %rem3A, %ne3A_46 : i32
      %and3A = arith.andi %ne3A, %ne3A_47 : i1
      %sub3A = arith.constant 1 : i32
      %sub3A_48 = arith.subi %div3A, %sub3A : i32
      %select_n3A = arith.select %and3A, %sub3A_48, %div3A : i32
      %jit3A_49 = arith.constant 5 : i32
      %eq3A_50 = arith.constant 0 : i32
      %eq3A_51 = arith.cmpi eq, %jit3A_49, %eq3A_50 : i32
      %jit3A_52 = arith.constant 1 : i32
      %select_n3A_53 = arith.select %eq3A_51, %jit3A_52, %jit3A_49 : i32
      %rem3A_54 = arith.remsi %scan3A_31, %select_n3A_53 : i32
      %ne3A_55 = arith.constant 0 : i32
      %ne3A_56 = arith.cmpi ne, %rem3A_54, %ne3A_55 : i32
      %lt3A_57 = arith.constant 0 : i32
      %lt3A_58 = arith.cmpi slt, %rem3A_54, %lt3A_57 : i32
      %lt3A_59 = arith.constant 0 : i32
      %lt3A_60 = arith.cmpi slt, %select_n3A_53, %lt3A_59 : i32
      %ne3A_61 = arith.xori %lt3A_58, %lt3A_60 : i1
      %and3A_62 = arith.andi %ne3A_61, %ne3A_56 : i1
      %add3A = arith.addi %rem3A_54, %select_n3A_53 : i32
      %select_n3A_63 = arith.select %and3A_62, %add3A, %rem3A_54 : i32
      %mul3A_64 = arith.constant 16 : i32
      %mul3A_65 = arith.muli %select_n3A_63, %mul3A_64 : i32
      %swap3A = arith.index_cast %select_n3A : i32 to index
      %swap3A_66 = arith.index_cast %mul3A_65 : i32 to index
      %swap3A_67 = tpu.vector_load %arg8[%swap3A, %swap3A_66] {strides = array<i32>} : memref<64x80xf32, #tpu.memory_space<vmem>>, vector<1x16xf32>,
      %swap3A_68 = vector.shape_cast %swap3A_67 : vector<1x16xf32> to vector<16xf32>
      %swap3A_69 = vector.shape_cast %broadcast_in_dim3A_6 : vector<16xf32> to vector<1x16xf32>
      tpu.vector_store %arg8[%swap3A, %swap3A_66], %swap3A_69 {strides = array<i32>} : memref<64x80xf32, #tpu.memory_space<vmem>>, vector<1x16xf32>,
      %scan3A_70 = arith.constant 0 : i32
      scf.yield %scan3A_70 : i32
    }
    %scan3A_12 = arith.constant 320 : i32
    %scan3A_13 = arith.constant 0 : i32
    %scan3A_14 = arith.constant 0 : i32
    %scan3A_15 = arith.constant 10 : i32
    %scan3A_16 = arith.addi %scan3A_14, %scan3A_15 : i32
    %scan3A_17 = arith.constant 1 : i32
    %scan3A_18 = scf.for %scan3A_31 = %scan3A_14 to %scan3A_16 step %scan3A_17 iter_args(%scan3A_32 = %scan3A_13) -> (i32)  : i32 {
      %mul3A_33 = arith.constant 16 : i32
      %mul3A_34 = arith.muli %mul3A_33, %scan3A_31 : i32
      %add3A = arith.addi %arg1, %mul3A_34 : i32
      %mul3A_35 = arith.constant 64 : i32
      %mul3A_36 = arith.muli %add3A, %mul3A_35 : i32
      "tpu.region"() ({
        %run_scoped3A = tpu.sem_alloc : memref<!tpu.dma_semaphore, #tpu.memory_space<semaphore_mem>>
        %dma_start3A = arith.constant 0 : i32
        %dma_start3A_38 = tpu.memref_slice %arg13[%mul3A_36, %dma_start3A] : memref<10240x80xf32, #tpu.memory_space<vmem_shared>> -> memref<64x80xf32, #tpu.memory_space<vmem_shared>>
        %dma_start3A_39 = arith.constant 0 : i32
        %dma_start3A_40 = tpu.memref_slice %arg13[%mul3A_36, %dma_start3A_39] : memref<10240x80xf32, #tpu.memory_space<vmem_shared>> -> memref<64x80xf32, #tpu.memory_space<vmem_shared>>
        tpu.enqueue_dma source(%arg8 : memref<64x80xf32, #tpu.memory_space<vmem>>) target(%dma_start3A_40 : memref<64x80xf32, #tpu.memory_space<vmem_shared>>) target_semaphore(%run_scoped3A : memref<!tpu.dma_semaphore, #tpu.memory_space<semaphore_mem>>)
        %dma_wait3A = arith.constant 0 : i32
        %dma_wait3A_41 = tpu.memref_slice %arg13[%mul3A_36, %dma_wait3A] : memref<10240x80xf32, #tpu.memory_space<vmem_shared>> -> memref<64x80xf32, #tpu.memory_space<vmem_shared>>
        %dma_wait3A_42 = arith.constant 0 : i32
        %dma_wait3A_43 = tpu.memref_slice %arg13[%mul3A_36, %dma_wait3A_42] : memref<10240x80xf32, #tpu.memory_space<vmem_shared>> -> memref<64x80xf32, #tpu.memory_space<vmem_shared>>
        tpu.wait_dma2 semaphore(%run_scoped3A : memref<!tpu.dma_semaphore, #tpu.memory_space<semaphore_mem>>) src(%arg8 : memref<64x80xf32, #tpu.memory_space<vmem>>) dst(%dma_wait3A_43 : memref<64x80xf32, #tpu.memory_space<vmem_shared>>)
        tpu.yield
      }) : () -> ()
      %scan3A_37 = arith.constant 0 : i32
      scf.yield %scan3A_37 : i32
    }
    %scan3A_19 = arith.constant 10 : i32
    %barrier3A = arith.constant 0 : index
    tpu.barrier barrier_id(%barrier3A)
    %scan3A_20 = arith.constant 0 : i32
    %scan3A_21 = arith.constant 0 : i32
    %scan3A_22 = arith.constant 8 : i32
    %scan3A_23 = arith.addi %scan3A_21, %scan3A_22 : i32
    %scan3A_24 = arith.constant 1 : i32
    %scan3A_25 = scf.for %scan3A_31 = %scan3A_21 to %scan3A_23 step %scan3A_24 iter_args(%scan3A_32 = %scan3A_20) -> (i32)  : i32 {
      %mul3A_33 = arith.constant 320 : i32
      %mul3A_34 = arith.muli %arg1, %mul3A_33 : i32
      %mul3A_35 = arith.constant 40 : i32
      %mul3A_36 = arith.muli %scan3A_31, %mul3A_35 : i32
      %add3A = arith.addi %mul3A_34, %mul3A_36 : i32
      "tpu.region"() ({
        %run_scoped3A = tpu.sem_alloc : memref<!tpu.dma_semaphore, #tpu.memory_space<semaphore_mem>>
        %dma_start3A_65 = arith.constant 0 : i32
        %dma_start3A_66 = tpu.memref_slice %arg3[%add3A, %dma_start3A_65] : memref<5120x64xi32, #tpu.memory_space<hbm>> -> memref<40x64xi32, #tpu.memory_space<hbm>>
        %dma_start3A_67 = arith.constant 0 : i32
        %dma_start3A_68 = tpu.memref_slice %arg3[%add3A, %dma_start3A_67] : memref<5120x64xi32, #tpu.memory_space<hbm>> -> memref<40x64xi32, #tpu.memory_space<hbm>>
        tpu.enqueue_dma source(%dma_start3A_68 : memref<40x64xi32, #tpu.memory_space<hbm>>) target(%arg6 : memref<40x64xi32, #tpu.memory_space<vmem>>) target_semaphore(%run_scoped3A : memref<!tpu.dma_semaphore, #tpu.memory_space<semaphore_mem>>)
        %dma_wait3A = arith.constant 0 : i32
        %dma_wait3A_69 = tpu.memref_slice %arg3[%add3A, %dma_wait3A] : memref<5120x64xi32, #tpu.memory_space<hbm>> -> memref<40x64xi32, #tpu.memory_space<hbm>>
        %dma_wait3A_70 = arith.constant 0 : i32
        %dma_wait3A_71 = tpu.memref_slice %arg3[%add3A, %dma_wait3A_70] : memref<5120x64xi32, #tpu.memory_space<hbm>> -> memref<40x64xi32, #tpu.memory_space<hbm>>
        tpu.wait_dma2 semaphore(%run_scoped3A : memref<!tpu.dma_semaphore, #tpu.memory_space<semaphore_mem>>) src(%dma_wait3A_71 : memref<40x64xi32, #tpu.memory_space<hbm>>) dst(%arg6 : memref<40x64xi32, #tpu.memory_space<vmem>>)
        tpu.yield
      }) : () -> ()
      "tpu.region"() ({
        %run_scoped3A = tpu.sem_alloc : memref<!tpu.dma_semaphore, #tpu.memory_space<semaphore_mem>>
        %dma_start3A_65 = arith.constant 0 : i32
        %dma_start3A_66 = tpu.memref_slice %arg4[%add3A, %dma_start3A_65] : memref<5120x64xi32, #tpu.memory_space<hbm>> -> memref<40x64xi32, #tpu.memory_space<hbm>>
        %dma_start3A_67 = arith.constant 0 : i32
        %dma_start3A_68 = tpu.memref_slice %arg4[%add3A, %dma_start3A_67] : memref<5120x64xi32, #tpu.memory_space<hbm>> -> memref<40x64xi32, #tpu.memory_space<hbm>>
        tpu.enqueue_dma source(%dma_start3A_68 : memref<40x64xi32, #tpu.memory_space<hbm>>) target(%arg7 : memref<40x64xi32, #tpu.memory_space<vmem>>) target_semaphore(%run_scoped3A : memref<!tpu.dma_semaphore, #tpu.memory_space<semaphore_mem>>)
        %dma_wait3A = arith.constant 0 : i32
        %dma_wait3A_69 = tpu.memref_slice %arg4[%add3A, %dma_wait3A] : memref<5120x64xi32, #tpu.memory_space<hbm>> -> memref<40x64xi32, #tpu.memory_space<hbm>>
        %dma_wait3A_70 = arith.constant 0 : i32
        %dma_wait3A_71 = tpu.memref_slice %arg4[%add3A, %dma_wait3A_70] : memref<5120x64xi32, #tpu.memory_space<hbm>> -> memref<40x64xi32, #tpu.memory_space<hbm>>
        tpu.wait_dma2 semaphore(%run_scoped3A : memref<!tpu.dma_semaphore, #tpu.memory_space<semaphore_mem>>) src(%dma_wait3A_71 : memref<40x64xi32, #tpu.memory_space<hbm>>) dst(%arg7 : memref<40x64xi32, #tpu.memory_space<vmem>>)
        tpu.yield
      }) : () -> ()
      %dma_start3A = arith.constant 0 : i32
      %dma_start3A_37 = arith.constant 0 : i32
      %dma_start3A_38 = tpu.memref_slice %arg6[%dma_start3A, %dma_start3A_37] : memref<40x64xi32, #tpu.memory_space<vmem>> -> memref<1x64xi32, #tpu.memory_space<vmem>>
      %dma_start3A_39 = tpu.memref_squeeze %dma_start3A_38 : memref<1x64xi32, #tpu.memory_space<vmem>> -> memref<64xi32, #tpu.memory_space<vmem>>
      %dma_start3A_40 = arith.constant 0 : i32
      %dma_start3A_41 = arith.constant 0 : i32
      %dma_start3A_42 = tpu.memref_slice %arg12[%dma_start3A_40, %dma_start3A_41] : memref<10000x80xf32, #tpu.memory_space<vmem_shared>> -> memref<10000x80xf32, #tpu.memory_space<vmem_shared>>
      tpu.enqueue_indirect_dma source(%dma_start3A_42 : memref<10000x80xf32, #tpu.memory_space<vmem_shared>>) target(%arg8 : memref<64x80xf32, #tpu.memory_space<vmem>>) offsets(%dma_start3A_39 : memref<64xi32, #tpu.memory_space<vmem>>) semaphore(%arg14 : memref<!tpu.dma_semaphore, #tpu.memory_space<semaphore_mem>>)
      %dma_start3A_43 = arith.constant 1 : i32
      %dma_start3A_44 = arith.constant 0 : i32
      %dma_start3A_45 = tpu.memref_slice %arg6[%dma_start3A_43, %dma_start3A_44] : memref<40x64xi32, #tpu.memory_space<vmem>> -> memref<1x64xi32, #tpu.memory_space<vmem>>
      %dma_start3A_46 = tpu.memref_squeeze %dma_start3A_45 : memref<1x64xi32, #tpu.memory_space<vmem>> -> memref<64xi32, #tpu.memory_space<vmem>>
      %dma_start3A_47 = arith.constant 0 : i32
      %dma_start3A_48 = arith.constant 0 : i32
      %dma_start3A_49 = tpu.memref_slice %arg12[%dma_start3A_47, %dma_start3A_48] : memref<10000x80xf32, #tpu.memory_space<vmem_shared>> -> memref<10000x80xf32, #tpu.memory_space<vmem_shared>>
      tpu.enqueue_indirect_dma source(%dma_start3A_49 : memref<10000x80xf32, #tpu.memory_space<vmem_shared>>) target(%arg9 : memref<64x80xf32, #tpu.memory_space<vmem>>) offsets(%dma_start3A_46 : memref<64xi32, #tpu.memory_space<vmem>>) semaphore(%arg15 : memref<!tpu.dma_semaphore, #tpu.memory_space<semaphore_mem>>)
      %dma_start3A_50 = arith.constant 2 : i32
      %dma_start3A_51 = arith.constant 0 : i32
      %dma_start3A_52 = tpu.memref_slice %arg6[%dma_start3A_50, %dma_start3A_51] : memref<40x64xi32, #tpu.memory_space<vmem>> -> memref<1x64xi32, #tpu.memory_space<vmem>>
      %dma_start3A_53 = tpu.memref_squeeze %dma_start3A_52 : memref<1x64xi32, #tpu.memory_space<vmem>> -> memref<64xi32, #tpu.memory_space<vmem>>
      %dma_start3A_54 = arith.constant 0 : i32
      %dma_start3A_55 = arith.constant 0 : i32
      %dma_start3A_56 = tpu.memref_slice %arg12[%dma_start3A_54, %dma_start3A_55] : memref<10000x80xf32, #tpu.memory_space<vmem_shared>> -> memref<10000x80xf32, #tpu.memory_space<vmem_shared>>
      tpu.enqueue_indirect_dma source(%dma_start3A_56 : memref<10000x80xf32, #tpu.memory_space<vmem_shared>>) target(%arg10 : memref<64x80xf32, #tpu.memory_space<vmem>>) offsets(%dma_start3A_53 : memref<64xi32, #tpu.memory_space<vmem>>) semaphore(%arg16 : memref<!tpu.dma_semaphore, #tpu.memory_space<semaphore_mem>>)
      %scan3A_57 = arith.constant 0 : i32
      %scan3A_58 = arith.constant 0 : i32
      %scan3A_59 = arith.constant 10 : i32
      %scan3A_60 = arith.addi %scan3A_58, %scan3A_59 : i32
      %scan3A_61 = arith.constant 1 : i32
      %scan3A_62 = scf.for %scan3A_65 = %scan3A_58 to %scan3A_60 step %scan3A_61 iter_args(%scan3A_66 = %scan3A_57) -> (i32)  : i32 {
        %mul3A_67 = arith.constant 4 : i32
        %mul3A_68 = arith.muli %mul3A_67, %scan3A_65 : i32
        %add3A_69 = arith.constant 0 : i32
        %add3A_70 = arith.addi %mul3A_68, %add3A_69 : i32
        %dma_wait3A = arith.constant 0 : i32
        %dma_wait3A_71 = tpu.memref_slice %arg6[%add3A_70, %dma_wait3A] : memref<40x64xi32, #tpu.memory_space<vmem>> -> memref<1x64xi32, #tpu.memory_space<vmem>>
        %dma_wait3A_72 = tpu.memref_squeeze %dma_wait3A_71 : memref<1x64xi32, #tpu.memory_space<vmem>> -> memref<64xi32, #tpu.memory_space<vmem>>
        %dma_wait3A_73 = arith.constant 0 : i32
        %dma_wait3A_74 = arith.constant 0 : i32
        %dma_wait3A_75 = tpu.memref_slice %arg12[%dma_wait3A_73, %dma_wait3A_74] : memref<10000x80xf32, #tpu.memory_space<vmem_shared>> -> memref<10000x80xf32, #tpu.memory_space<vmem_shared>>
        tpu.wait_indirect_dma semaphore(%arg14 : memref<!tpu.dma_semaphore, #tpu.memory_space<semaphore_mem>>) src(%dma_wait3A_75 : memref<10000x80xf32, #tpu.memory_space<vmem_shared>>) dst(%arg8 : memref<64x80xf32, #tpu.memory_space<vmem>>)
        %dma_start3A_76 = arith.constant 0 : i32
        %dma_start3A_77 = tpu.memref_slice %arg7[%add3A_70, %dma_start3A_76] : memref<40x64xi32, #tpu.memory_space<vmem>> -> memref<1x64xi32, #tpu.memory_space<vmem>>
        %dma_start3A_78 = tpu.memref_squeeze %dma_start3A_77 : memref<1x64xi32, #tpu.memory_space<vmem>> -> memref<64xi32, #tpu.memory_space<vmem>>
        %dma_start3A_79 = arith.constant 0 : i32
        %dma_start3A_80 = arith.constant 0 : i32
        %dma_start3A_81 = tpu.memref_slice %arg13[%dma_start3A_79, %dma_start3A_80] : memref<10240x80xf32, #tpu.memory_space<vmem_shared>> -> memref<10240x80xf32, #tpu.memory_space<vmem_shared>>
        tpu.enqueue_indirect_dma source(%arg8 : memref<64x80xf32, #tpu.memory_space<vmem>>) target(%dma_start3A_81 : memref<10240x80xf32, #tpu.memory_space<vmem_shared>>) offsets(%dma_start3A_78 : memref<64xi32, #tpu.memory_space<vmem>>) semaphore(%arg18 : memref<!tpu.dma_semaphore, #tpu.memory_space<semaphore_mem>>) {add = true}
        %dma_wait3A_82 = arith.constant 0 : i32
        %dma_wait3A_83 = tpu.memref_slice %arg7[%add3A_70, %dma_wait3A_82] : memref<40x64xi32, #tpu.memory_space<vmem>> -> memref<1x64xi32, #tpu.memory_space<vmem>>
        %dma_wait3A_84 = tpu.memref_squeeze %dma_wait3A_83 : memref<1x64xi32, #tpu.memory_space<vmem>> -> memref<64xi32, #tpu.memory_space<vmem>>
        %dma_wait3A_85 = arith.constant 0 : i32
        %dma_wait3A_86 = arith.constant 0 : i32
        %dma_wait3A_87 = tpu.memref_slice %arg13[%dma_wait3A_85, %dma_wait3A_86] : memref<10240x80xf32, #tpu.memory_space<vmem_shared>> -> memref<10240x80xf32, #tpu.memory_space<vmem_shared>>
        tpu.wait_indirect_dma semaphore(%arg18 : memref<!tpu.dma_semaphore, #tpu.memory_space<semaphore_mem>>) src(%arg8 : memref<64x80xf32, #tpu.memory_space<vmem>>) dst(%dma_wait3A_87 : memref<10240x80xf32, #tpu.memory_space<vmem_shared>>)
        %add3A_88 = arith.constant 4 : i32
        %add3A_89 = arith.addi %add3A_70, %add3A_88 : i32
        %sub3A = arith.constant 1 : i32
        %sub3A_90 = arith.subi %add3A_89, %sub3A : i32
        %lt3A_91 = arith.constant 40 : i32
        %lt3A_92 = arith.cmpi slt, %sub3A_90, %lt3A_91 : i32
        %convert_element_type3A_93 = arith.extui %lt3A_92 : i1 to i32
        %cond3A_94 = arith.constant 0 : i32
        %cond3A_95 = arith.cmpi ne, %convert_element_type3A_93, %cond3A_94 : i32
        scf.if %cond3A_95 {
          %add3A_190 = arith.constant 4 : i32
          %add3A_191 = arith.addi %add3A_70, %add3A_190 : i32
          %sub3A_192 = arith.constant 1 : i32
          %sub3A_193 = arith.subi %add3A_191, %sub3A_192 : i32
          %dma_start3A_194 = arith.constant 0 : i32
          %dma_start3A_195 = tpu.memref_slice %arg6[%sub3A_193, %dma_start3A_194] : memref<40x64xi32, #tpu.memory_space<vmem>> -> memref<1x64xi32, #tpu.memory_space<vmem>>
          %dma_start3A_196 = tpu.memref_squeeze %dma_start3A_195 : memref<1x64xi32, #tpu.memory_space<vmem>> -> memref<64xi32, #tpu.memory_space<vmem>>
          %dma_start3A_197 = arith.constant 0 : i32
          %dma_start3A_198 = arith.constant 0 : i32
          %dma_start3A_199 = tpu.memref_slice %arg12[%dma_start3A_197, %dma_start3A_198] : memref<10000x80xf32, #tpu.memory_space<vmem_shared>> -> memref<10000x80xf32, #tpu.memory_space<vmem_shared>>
          tpu.enqueue_indirect_dma source(%dma_start3A_199 : memref<10000x80xf32, #tpu.memory_space<vmem_shared>>) target(%arg11 : memref<64x80xf32, #tpu.memory_space<vmem>>) offsets(%dma_start3A_196 : memref<64xi32, #tpu.memory_space<vmem>>) semaphore(%arg17 : memref<!tpu.dma_semaphore, #tpu.memory_space<semaphore_mem>>)
        } else {
        }
        %mul3A_96 = arith.constant 4 : i32
        %mul3A_97 = arith.muli %mul3A_96, %scan3A_65 : i32
        %add3A_98 = arith.constant 1 : i32
        %add3A_99 = arith.addi %mul3A_97, %add3A_98 : i32
        %dma_wait3A_100 = arith.constant 0 : i32
        %dma_wait3A_101 = tpu.memref_slice %arg6[%add3A_99, %dma_wait3A_100] : memref<40x64xi32, #tpu.memory_space<vmem>> -> memref<1x64xi32, #tpu.memory_space<vmem>>
        %dma_wait3A_102 = tpu.memref_squeeze %dma_wait3A_101 : memref<1x64xi32, #tpu.memory_space<vmem>> -> memref<64xi32, #tpu.memory_space<vmem>>
        %dma_wait3A_103 = arith.constant 0 : i32
        %dma_wait3A_104 = arith.constant 0 : i32
        %dma_wait3A_105 = tpu.memref_slice %arg12[%dma_wait3A_103, %dma_wait3A_104] : memref<10000x80xf32, #tpu.memory_space<vmem_shared>> -> memref<10000x80xf32, #tpu.memory_space<vmem_shared>>
        tpu.wait_indirect_dma semaphore(%arg15 : memref<!tpu.dma_semaphore, #tpu.memory_space<semaphore_mem>>) src(%dma_wait3A_105 : memref<10000x80xf32, #tpu.memory_space<vmem_shared>>) dst(%arg9 : memref<64x80xf32, #tpu.memory_space<vmem>>)
        %dma_start3A_106 = arith.constant 0 : i32
        %dma_start3A_107 = tpu.memref_slice %arg7[%add3A_99, %dma_start3A_106] : memref<40x64xi32, #tpu.memory_space<vmem>> -> memref<1x64xi32, #tpu.memory_space<vmem>>
        %dma_start3A_108 = tpu.memref_squeeze %dma_start3A_107 : memref<1x64xi32, #tpu.memory_space<vmem>> -> memref<64xi32, #tpu.memory_space<vmem>>
        %dma_start3A_109 = arith.constant 0 : i32
        %dma_start3A_110 = arith.constant 0 : i32
        %dma_start3A_111 = tpu.memref_slice %arg13[%dma_start3A_109, %dma_start3A_110] : memref<10240x80xf32, #tpu.memory_space<vmem_shared>> -> memref<10240x80xf32, #tpu.memory_space<vmem_shared>>
        tpu.enqueue_indirect_dma source(%arg9 : memref<64x80xf32, #tpu.memory_space<vmem>>) target(%dma_start3A_111 : memref<10240x80xf32, #tpu.memory_space<vmem_shared>>) offsets(%dma_start3A_108 : memref<64xi32, #tpu.memory_space<vmem>>) semaphore(%arg18 : memref<!tpu.dma_semaphore, #tpu.memory_space<semaphore_mem>>) {add = true}
        %dma_wait3A_112 = arith.constant 0 : i32
        %dma_wait3A_113 = tpu.memref_slice %arg7[%add3A_99, %dma_wait3A_112] : memref<40x64xi32, #tpu.memory_space<vmem>> -> memref<1x64xi32, #tpu.memory_space<vmem>>
        %dma_wait3A_114 = tpu.memref_squeeze %dma_wait3A_113 : memref<1x64xi32, #tpu.memory_space<vmem>> -> memref<64xi32, #tpu.memory_space<vmem>>
        %dma_wait3A_115 = arith.constant 0 : i32
        %dma_wait3A_116 = arith.constant 0 : i32
        %dma_wait3A_117 = tpu.memref_slice %arg13[%dma_wait3A_115, %dma_wait3A_116] : memref<10240x80xf32, #tpu.memory_space<vmem_shared>> -> memref<10240x80xf32, #tpu.memory_space<vmem_shared>>
        tpu.wait_indirect_dma semaphore(%arg18 : memref<!tpu.dma_semaphore, #tpu.memory_space<semaphore_mem>>) src(%arg9 : memref<64x80xf32, #tpu.memory_space<vmem>>) dst(%dma_wait3A_117 : memref<10240x80xf32, #tpu.memory_space<vmem_shared>>)
        %add3A_118 = arith.constant 4 : i32
        %add3A_119 = arith.addi %add3A_99, %add3A_118 : i32
        %sub3A_120 = arith.constant 1 : i32
        %sub3A_121 = arith.subi %add3A_119, %sub3A_120 : i32
        %lt3A_122 = arith.constant 40 : i32
        %lt3A_123 = arith.cmpi slt, %sub3A_121, %lt3A_122 : i32
        %convert_element_type3A_124 = arith.extui %lt3A_123 : i1 to i32
        %cond3A_125 = arith.constant 0 : i32
        %cond3A_126 = arith.cmpi ne, %convert_element_type3A_124, %cond3A_125 : i32
        scf.if %cond3A_126 {
          %add3A_190 = arith.constant 4 : i32
          %add3A_191 = arith.addi %add3A_99, %add3A_190 : i32
          %sub3A_192 = arith.constant 1 : i32
          %sub3A_193 = arith.subi %add3A_191, %sub3A_192 : i32
          %dma_start3A_194 = arith.constant 0 : i32
          %dma_start3A_195 = tpu.memref_slice %arg6[%sub3A_193, %dma_start3A_194] : memref<40x64xi32, #tpu.memory_space<vmem>> -> memref<1x64xi32, #tpu.memory_space<vmem>>
          %dma_start3A_196 = tpu.memref_squeeze %dma_start3A_195 : memref<1x64xi32, #tpu.memory_space<vmem>> -> memref<64xi32, #tpu.memory_space<vmem>>
          %dma_start3A_197 = arith.constant 0 : i32
          %dma_start3A_198 = arith.constant 0 : i32
          %dma_start3A_199 = tpu.memref_slice %arg12[%dma_start3A_197, %dma_start3A_198] : memref<10000x80xf32, #tpu.memory_space<vmem_shared>> -> memref<10000x80xf32, #tpu.memory_space<vmem_shared>>
          tpu.enqueue_indirect_dma source(%dma_start3A_199 : memref<10000x80xf32, #tpu.memory_space<vmem_shared>>) target(%arg8 : memref<64x80xf32, #tpu.memory_space<vmem>>) offsets(%dma_start3A_196 : memref<64xi32, #tpu.memory_space<vmem>>) semaphore(%arg14 : memref<!tpu.dma_semaphore, #tpu.memory_space<semaphore_mem>>)
        } else {
        }
        %mul3A_127 = arith.constant 4 : i32
        %mul3A_128 = arith.muli %mul3A_127, %scan3A_65 : i32
        %add3A_129 = arith.constant 2 : i32
        %add3A_130 = arith.addi %mul3A_128, %add3A_129 : i32
        %dma_wait3A_131 = arith.constant 0 : i32
        %dma_wait3A_132 = tpu.memref_slice %arg6[%add3A_130, %dma_wait3A_131] : memref<40x64xi32, #tpu.memory_space<vmem>> -> memref<1x64xi32, #tpu.memory_space<vmem>>
        %dma_wait3A_133 = tpu.memref_squeeze %dma_wait3A_132 : memref<1x64xi32, #tpu.memory_space<vmem>> -> memref<64xi32, #tpu.memory_space<vmem>>
        %dma_wait3A_134 = arith.constant 0 : i32
        %dma_wait3A_135 = arith.constant 0 : i32
        %dma_wait3A_136 = tpu.memref_slice %arg12[%dma_wait3A_134, %dma_wait3A_135] : memref<10000x80xf32, #tpu.memory_space<vmem_shared>> -> memref<10000x80xf32, #tpu.memory_space<vmem_shared>>
        tpu.wait_indirect_dma semaphore(%arg16 : memref<!tpu.dma_semaphore, #tpu.memory_space<semaphore_mem>>) src(%dma_wait3A_136 : memref<10000x80xf32, #tpu.memory_space<vmem_shared>>) dst(%arg10 : memref<64x80xf32, #tpu.memory_space<vmem>>)
        %dma_start3A_137 = arith.constant 0 : i32
        %dma_start3A_138 = tpu.memref_slice %arg7[%add3A_130, %dma_start3A_137] : memref<40x64xi32, #tpu.memory_space<vmem>> -> memref<1x64xi32, #tpu.memory_space<vmem>>
        %dma_start3A_139 = tpu.memref_squeeze %dma_start3A_138 : memref<1x64xi32, #tpu.memory_space<vmem>> -> memref<64xi32, #tpu.memory_space<vmem>>
        %dma_start3A_140 = arith.constant 0 : i32
        %dma_start3A_141 = arith.constant 0 : i32
        %dma_start3A_142 = tpu.memref_slice %arg13[%dma_start3A_140, %dma_start3A_141] : memref<10240x80xf32, #tpu.memory_space<vmem_shared>> -> memref<10240x80xf32, #tpu.memory_space<vmem_shared>>
        tpu.enqueue_indirect_dma source(%arg10 : memref<64x80xf32, #tpu.memory_space<vmem>>) target(%dma_start3A_142 : memref<10240x80xf32, #tpu.memory_space<vmem_shared>>) offsets(%dma_start3A_139 : memref<64xi32, #tpu.memory_space<vmem>>) semaphore(%arg18 : memref<!tpu.dma_semaphore, #tpu.memory_space<semaphore_mem>>) {add = true}
        %dma_wait3A_143 = arith.constant 0 : i32
        %dma_wait3A_144 = tpu.memref_slice %arg7[%add3A_130, %dma_wait3A_143] : memref<40x64xi32, #tpu.memory_space<vmem>> -> memref<1x64xi32, #tpu.memory_space<vmem>>
        %dma_wait3A_145 = tpu.memref_squeeze %dma_wait3A_144 : memref<1x64xi32, #tpu.memory_space<vmem>> -> memref<64xi32, #tpu.memory_space<vmem>>
        %dma_wait3A_146 = arith.constant 0 : i32
        %dma_wait3A_147 = arith.constant 0 : i32
        %dma_wait3A_148 = tpu.memref_slice %arg13[%dma_wait3A_146, %dma_wait3A_147] : memref<10240x80xf32, #tpu.memory_space<vmem_shared>> -> memref<10240x80xf32, #tpu.memory_space<vmem_shared>>
        tpu.wait_indirect_dma semaphore(%arg18 : memref<!tpu.dma_semaphore, #tpu.memory_space<semaphore_mem>>) src(%arg10 : memref<64x80xf32, #tpu.memory_space<vmem>>) dst(%dma_wait3A_148 : memref<10240x80xf32, #tpu.memory_space<vmem_shared>>)
        %add3A_149 = arith.constant 4 : i32
        %add3A_150 = arith.addi %add3A_130, %add3A_149 : i32
        %sub3A_151 = arith.constant 1 : i32
        %sub3A_152 = arith.subi %add3A_150, %sub3A_151 : i32
        %lt3A_153 = arith.constant 40 : i32
        %lt3A_154 = arith.cmpi slt, %sub3A_152, %lt3A_153 : i32
        %convert_element_type3A_155 = arith.extui %lt3A_154 : i1 to i32
        %cond3A_156 = arith.constant 0 : i32
        %cond3A_157 = arith.cmpi ne, %convert_element_type3A_155, %cond3A_156 : i32
        scf.if %cond3A_157 {
          %add3A_190 = arith.constant 4 : i32
          %add3A_191 = arith.addi %add3A_130, %add3A_190 : i32
          %sub3A_192 = arith.constant 1 : i32
          %sub3A_193 = arith.subi %add3A_191, %sub3A_192 : i32
          %dma_start3A_194 = arith.constant 0 : i32
          %dma_start3A_195 = tpu.memref_slice %arg6[%sub3A_193, %dma_start3A_194] : memref<40x64xi32, #tpu.memory_space<vmem>> -> memref<1x64xi32, #tpu.memory_space<vmem>>
          %dma_start3A_196 = tpu.memref_squeeze %dma_start3A_195 : memref<1x64xi32, #tpu.memory_space<vmem>> -> memref<64xi32, #tpu.memory_space<vmem>>
          %dma_start3A_197 = arith.constant 0 : i32
          %dma_start3A_198 = arith.constant 0 : i32
          %dma_start3A_199 = tpu.memref_slice %arg12[%dma_start3A_197, %dma_start3A_198] : memref<10000x80xf32, #tpu.memory_space<vmem_shared>> -> memref<10000x80xf32, #tpu.memory_space<vmem_shared>>
          tpu.enqueue_indirect_dma source(%dma_start3A_199 : memref<10000x80xf32, #tpu.memory_space<vmem_shared>>) target(%arg9 : memref<64x80xf32, #tpu.memory_space<vmem>>) offsets(%dma_start3A_196 : memref<64xi32, #tpu.memory_space<vmem>>) semaphore(%arg15 : memref<!tpu.dma_semaphore, #tpu.memory_space<semaphore_mem>>)
        } else {
        }
        %mul3A_158 = arith.constant 4 : i32
        %mul3A_159 = arith.muli %mul3A_158, %scan3A_65 : i32
        %add3A_160 = arith.constant 3 : i32
        %add3A_161 = arith.addi %mul3A_159, %add3A_160 : i32
        %dma_wait3A_162 = arith.constant 0 : i32
        %dma_wait3A_163 = tpu.memref_slice %arg6[%add3A_161, %dma_wait3A_162] : memref<40x64xi32, #tpu.memory_space<vmem>> -> memref<1x64xi32, #tpu.memory_space<vmem>>
        %dma_wait3A_164 = tpu.memref_squeeze %dma_wait3A_163 : memref<1x64xi32, #tpu.memory_space<vmem>> -> memref<64xi32, #tpu.memory_space<vmem>>
        %dma_wait3A_165 = arith.constant 0 : i32
        %dma_wait3A_166 = arith.constant 0 : i32
        %dma_wait3A_167 = tpu.memref_slice %arg12[%dma_wait3A_165, %dma_wait3A_166] : memref<10000x80xf32, #tpu.memory_space<vmem_shared>> -> memref<10000x80xf32, #tpu.memory_space<vmem_shared>>
        tpu.wait_indirect_dma semaphore(%arg17 : memref<!tpu.dma_semaphore, #tpu.memory_space<semaphore_mem>>) src(%dma_wait3A_167 : memref<10000x80xf32, #tpu.memory_space<vmem_shared>>) dst(%arg11 : memref<64x80xf32, #tpu.memory_space<vmem>>)
        %dma_start3A_168 = arith.constant 0 : i32
        %dma_start3A_169 = tpu.memref_slice %arg7[%add3A_161, %dma_start3A_168] : memref<40x64xi32, #tpu.memory_space<vmem>> -> memref<1x64xi32, #tpu.memory_space<vmem>>
        %dma_start3A_170 = tpu.memref_squeeze %dma_start3A_169 : memref<1x64xi32, #tpu.memory_space<vmem>> -> memref<64xi32, #tpu.memory_space<vmem>>
        %dma_start3A_171 = arith.constant 0 : i32
        %dma_start3A_172 = arith.constant 0 : i32
        %dma_start3A_173 = tpu.memref_slice %arg13[%dma_start3A_171, %dma_start3A_172] : memref<10240x80xf32, #tpu.memory_space<vmem_shared>> -> memref<10240x80xf32, #tpu.memory_space<vmem_shared>>
        tpu.enqueue_indirect_dma source(%arg11 : memref<64x80xf32, #tpu.memory_space<vmem>>) target(%dma_start3A_173 : memref<10240x80xf32, #tpu.memory_space<vmem_shared>>) offsets(%dma_start3A_170 : memref<64xi32, #tpu.memory_space<vmem>>) semaphore(%arg18 : memref<!tpu.dma_semaphore, #tpu.memory_space<semaphore_mem>>) {add = true}
        %dma_wait3A_174 = arith.constant 0 : i32
        %dma_wait3A_175 = tpu.memref_slice %arg7[%add3A_161, %dma_wait3A_174] : memref<40x64xi32, #tpu.memory_space<vmem>> -> memref<1x64xi32, #tpu.memory_space<vmem>>
        %dma_wait3A_176 = tpu.memref_squeeze %dma_wait3A_175 : memref<1x64xi32, #tpu.memory_space<vmem>> -> memref<64xi32, #tpu.memory_space<vmem>>
        %dma_wait3A_177 = arith.constant 0 : i32
        %dma_wait3A_178 = arith.constant 0 : i32
        %dma_wait3A_179 = tpu.memref_slice %arg13[%dma_wait3A_177, %dma_wait3A_178] : memref<10240x80xf32, #tpu.memory_space<vmem_shared>> -> memref<10240x80xf32, #tpu.memory_space<vmem_shared>>
        tpu.wait_indirect_dma semaphore(%arg18 : memref<!tpu.dma_semaphore, #tpu.memory_space<semaphore_mem>>) src(%arg11 : memref<64x80xf32, #tpu.memory_space<vmem>>) dst(%dma_wait3A_179 : memref<10240x80xf32, #tpu.memory_space<vmem_shared>>)
        %add3A_180 = arith.constant 4 : i32
        %add3A_181 = arith.addi %add3A_161, %add3A_180 : i32
        %sub3A_182 = arith.constant 1 : i32
        %sub3A_183 = arith.subi %add3A_181, %sub3A_182 : i32
        %lt3A_184 = arith.constant 40 : i32
        %lt3A_185 = arith.cmpi slt, %sub3A_183, %lt3A_184 : i32
        %convert_element_type3A_186 = arith.extui %lt3A_185 : i1 to i32
        %cond3A_187 = arith.constant 0 : i32
        %cond3A_188 = arith.cmpi ne, %convert_element_type3A_186, %cond3A_187 : i32
        scf.if %cond3A_188 {
          %add3A_190 = arith.constant 4 : i32
          %add3A_191 = arith.addi %add3A_161, %add3A_190 : i32
          %sub3A_192 = arith.constant 1 : i32
          %sub3A_193 = arith.subi %add3A_191, %sub3A_192 : i32
          %dma_start3A_194 = arith.constant 0 : i32
          %dma_start3A_195 = tpu.memref_slice %arg6[%sub3A_193, %dma_start3A_194] : memref<40x64xi32, #tpu.memory_space<vmem>> -> memref<1x64xi32, #tpu.memory_space<vmem>>
          %dma_start3A_196 = tpu.memref_squeeze %dma_start3A_195 : memref<1x64xi32, #tpu.memory_space<vmem>> -> memref<64xi32, #tpu.memory_space<vmem>>
          %dma_start3A_197 = arith.constant 0 : i32
          %dma_start3A_198 = arith.constant 0 : i32
          %dma_start3A_199 = tpu.memref_slice %arg12[%dma_start3A_197, %dma_start3A_198] : memref<10000x80xf32, #tpu.memory_space<vmem_shared>> -> memref<10000x80xf32, #tpu.memory_space<vmem_shared>>
          tpu.enqueue_indirect_dma source(%dma_start3A_199 : memref<10000x80xf32, #tpu.memory_space<vmem_shared>>) target(%arg10 : memref<64x80xf32, #tpu.memory_space<vmem>>) offsets(%dma_start3A_196 : memref<64xi32, #tpu.memory_space<vmem>>) semaphore(%arg16 : memref<!tpu.dma_semaphore, #tpu.memory_space<semaphore_mem>>)
        } else {
        }
        %scan3A_189 = arith.constant 0 : i32
        scf.yield %scan3A_189 : i32
      }
      %scan3A_63 = arith.constant 10 : i32
      %scan3A_64 = arith.constant 0 : i32
      scf.yield %scan3A_64 : i32
    }
    %scan3A_26 = arith.constant 8 : i32
    %barrier3A_27 = arith.constant 0 : index
    tpu.barrier barrier_id(%barrier3A_27)
    %mul3A = arith.constant 640 : i32
    %mul3A_28 = arith.muli %arg1, %mul3A : i32
    %mul3A_29 = arith.constant 640 : i32
    %mul3A_30 = arith.muli %arg1, %mul3A_29 : i32
    "tpu.region"() ({
      %run_scoped3A = tpu.sem_alloc : memref<!tpu.dma_semaphore, #tpu.memory_space<semaphore_mem>>
      %dma_start3A = arith.constant 0 : i32
      %dma_start3A_31 = tpu.memref_slice %arg5[%arg0, %mul3A_30, %dma_start3A] : memref<2x10240x80xf32, #tpu.memory_space<hbm>> -> memref<1x640x80xf32, #tpu.memory_space<hbm>>
      %dma_start3A_32 = tpu.memref_squeeze %dma_start3A_31 : memref<1x640x80xf32, #tpu.memory_space<hbm>> -> memref<640x80xf32, #tpu.memory_space<hbm>>
      %dma_start3A_33 = arith.constant 0 : i32
      %dma_start3A_34 = tpu.memref_slice %arg13[%mul3A_28, %dma_start3A_33] : memref<10240x80xf32, #tpu.memory_space<vmem_shared>> -> memref<640x80xf32, #tpu.memory_space<vmem_shared>>
      tpu.enqueue_dma source(%dma_start3A_34 : memref<640x80xf32, #tpu.memory_space<vmem_shared>>) target(%dma_start3A_32 : memref<640x80xf32, #tpu.memory_space<hbm>>) target_semaphore(%run_scoped3A : memref<!tpu.dma_semaphore, #tpu.memory_space<semaphore_mem>>)
      %dma_wait3A = arith.constant 0 : i32
      %dma_wait3A_35 = tpu.memref_slice %arg5[%arg0, %mul3A_30, %dma_wait3A] : memref<2x10240x80xf32, #tpu.memory_space<hbm>> -> memref<1x640x80xf32, #tpu.memory_space<hbm>>
      %dma_wait3A_36 = tpu.memref_squeeze %dma_wait3A_35 : memref<1x640x80xf32, #tpu.memory_space<hbm>> -> memref<640x80xf32, #tpu.memory_space<hbm>>
      %dma_wait3A_37 = arith.constant 0 : i32
      %dma_wait3A_38 = tpu.memref_slice %arg13[%mul3A_28, %dma_wait3A_37] : memref<10240x80xf32, #tpu.memory_space<vmem_shared>> -> memref<640x80xf32, #tpu.memory_space<vmem_shared>>
      tpu.wait_dma2 semaphore(%run_scoped3A : memref<!tpu.dma_semaphore, #tpu.memory_space<semaphore_mem>>) src(%dma_wait3A_38 : memref<640x80xf32, #tpu.memory_space<vmem_shared>>) dst(%dma_wait3A_36 : memref<640x80xf32, #tpu.memory_space<hbm>>)
      tpu.yield
    }) : () -> ()
    return
  }
}

module attributes {stable_mosaic.version = 14 : i64} {
  func.func @_tc_body(%arg0: i32, %arg1: memref<400x128xf32, #tpu.memory_space<vmem>>, %arg2: memref<2x400x80xf32, #tpu.memory_space<vmem>>, %arg3: memref<128x256xf32, #tpu.memory_space<vmem>>, %arg4: memref<1x128xf32, #tpu.memory_space<vmem>>, %arg5: memref<400x128xf32, #tpu.memory_space<vmem>>) attributes {dimension_semantics = [#tpu.dimension_semantics<arbitrary>], iteration_bounds = array<i64: 25>, scalar_prefetch = 0 : i64, scratch_operands = 0 : i64, tpu.core_type = #tpu.core_type<tc>, window_params = [{transform_indices = @transform_0, window_bounds = array<i64: 400, 128>}, {transform_indices = @transform_1, window_bounds = array<i64: 2, 400, 80>}, {pipeline_mode = #tpu.pipeline_mode<synchronous>, transform_indices = @transform_2, window_bounds = array<i64: 128, 256>}, {pipeline_mode = #tpu.pipeline_mode<synchronous>, transform_indices = @transform_3, window_bounds = array<i64: 1, 128>}, {transform_indices = @transform_4, window_bounds = array<i64: 400, 128>}]} {
    %get3A = arith.constant 0 : index
    %get3A_0 = arith.constant 0 : index
    %get3A_1 = vector.load %arg1[%get3A, %get3A_0] : memref<400x128xf32, #tpu.memory_space<vmem>>, vector<400x128xf32>
    %get3A_2 = arith.constant 0 : index
    %get3A_3 = arith.constant 0 : index
    %get3A_4 = arith.constant 0 : index
    %get3A_5 = vector.load %arg2[%get3A_2, %get3A_3, %get3A_4] : memref<2x400x80xf32, #tpu.memory_space<vmem>>, vector<1x400x80xf32>
    %get3A_6 = vector.shape_cast %get3A_5 : vector<1x400x80xf32> to vector<400x80xf32>
    %slice3A = vector.extract_strided_slice %get3A_6 {offsets = [0, 64], sizes = [400, 1], strides = [1, 1]} : vector<400x80xf32> to vector<400x1xf32>
    %max3A = arith.constant 1.000000e+00 : f32
    %max3A_7 = vector.broadcast %max3A : f32 to vector<400x1xf32>
    %max3A_8 = arith.maximumf %slice3A, %max3A_7 : vector<400x1xf32>
    %get3A_9 = arith.constant 0 : index
    %get3A_10 = arith.constant 0 : index
    %get3A_11 = arith.constant 0 : index
    %get3A_12 = vector.load %arg2[%get3A_9, %get3A_10, %get3A_11] : memref<2x400x80xf32, #tpu.memory_space<vmem>>, vector<1x400x80xf32>
    %get3A_13 = vector.shape_cast %get3A_12 : vector<1x400x80xf32> to vector<400x80xf32>
    %slice3A_14 = vector.extract_strided_slice %get3A_13 {offsets = [0, 0], sizes = [400, 64], strides = [1, 1]} : vector<400x80xf32> to vector<400x64xf32>
    %div3A = vector.broadcast %max3A_8 : vector<400x1xf32> to vector<400x64xf32>
    %div3A_15 = arith.divf %slice3A_14, %div3A : vector<400x64xf32>
    %get3A_16 = arith.constant 1 : index
    %get3A_17 = arith.constant 0 : index
    %get3A_18 = arith.constant 0 : index
    %get3A_19 = vector.load %arg2[%get3A_16, %get3A_17, %get3A_18] : memref<2x400x80xf32, #tpu.memory_space<vmem>>, vector<1x400x80xf32>
    %get3A_20 = vector.shape_cast %get3A_19 : vector<1x400x80xf32> to vector<400x80xf32>
    %slice3A_21 = vector.extract_strided_slice %get3A_20 {offsets = [0, 0], sizes = [400, 64], strides = [1, 1]} : vector<400x80xf32> to vector<400x64xf32>
    %div3A_22 = vector.broadcast %max3A_8 : vector<400x1xf32> to vector<400x64xf32>
    %div3A_23 = arith.divf %slice3A_21, %div3A_22 : vector<400x64xf32>
    %get3A_24 = arith.constant 0 : index
    %get3A_25 = arith.constant 0 : index
    %get3A_26 = vector.load %arg3[%get3A_24, %get3A_25] : memref<128x256xf32, #tpu.memory_space<vmem>>, vector<128x128xf32>
    %get3A_27 = arith.constant 0 : index
    %get3A_28 = arith.constant 128 : index
    %get3A_29 = vector.load %arg3[%get3A_27, %get3A_28] : memref<128x256xf32, #tpu.memory_space<vmem>>, vector<128x64xf32>
    %get3A_30 = arith.constant 0 : index
    %get3A_31 = arith.constant 192 : index
    %get3A_32 = vector.load %arg3[%get3A_30, %get3A_31] : memref<128x256xf32, #tpu.memory_space<vmem>>, vector<128x64xf32>
    %dot_general3A = arith.constant dense<0.000000e+00> : vector<400x128xf32>
    %dot_general3A_33 = tpu.matmul %get3A_1, %get3A_26, %dot_general3A {dimension_numbers = #tpu.dot_dimension_numbers<[1], [1], [0], [0], [0, 0, 1, 0], [], []>, transpose_lhs_hint = false} : vector<400x128xf32>, vector<128x128xf32>, vector<400x128xf32> -> vector<400x128xf32>
    %dot_general3A_34 = arith.constant dense<0.000000e+00> : vector<400x128xf32>
    %dot_general3A_35 = tpu.matmul %div3A_15, %get3A_29, %dot_general3A_34 {dimension_numbers = #tpu.dot_dimension_numbers<[1], [1], [0], [0], [0, 0, 1, 0], [], []>, transpose_lhs_hint = false} : vector<400x64xf32>, vector<128x64xf32>, vector<400x128xf32> -> vector<400x128xf32>
    %add3A = arith.addf %dot_general3A_33, %dot_general3A_35 : vector<400x128xf32>
    %dot_general3A_36 = arith.constant dense<0.000000e+00> : vector<400x128xf32>
    %dot_general3A_37 = tpu.matmul %div3A_23, %get3A_32, %dot_general3A_36 {dimension_numbers = #tpu.dot_dimension_numbers<[1], [1], [0], [0], [0, 0, 1, 0], [], []>, transpose_lhs_hint = false} : vector<400x64xf32>, vector<128x64xf32>, vector<400x128xf32> -> vector<400x128xf32>
    %add3A_38 = arith.addf %add3A, %dot_general3A_37 : vector<400x128xf32>
    %get3A_39 = arith.constant 0 : index
    %get3A_40 = arith.constant 0 : index
    %get3A_41 = vector.load %arg4[%get3A_39, %get3A_40] : memref<1x128xf32, #tpu.memory_space<vmem>>, vector<1x128xf32>
    %add3A_42 = vector.broadcast %get3A_41 : vector<1x128xf32> to vector<400x128xf32>
    %add3A_43 = arith.addf %add3A_38, %add3A_42 : vector<400x128xf32>
    %max3A_44 = arith.constant 0.000000e+00 : f32
    %max3A_45 = vector.broadcast %max3A_44 : f32 to vector<400x128xf32>
    %max3A_46 = arith.maximumf %add3A_43, %max3A_45 : vector<400x128xf32>
    %swap3A = arith.constant 0 : index
    %swap3A_47 = arith.constant 0 : index
    %swap3A_48 = vector.load %arg5[%swap3A, %swap3A_47] : memref<400x128xf32, #tpu.memory_space<vmem>>, vector<400x128xf32>
    tpu.vector_store %arg5[%swap3A, %swap3A_47], %max3A_46 {strides = array<i32>} : memref<400x128xf32, #tpu.memory_space<vmem>>, vector<400x128xf32>,
    return
  }
  func.func @transform_0(%arg0: i32) -> (i32, i32) {
    %c0_i32 = arith.constant 0 : i32
    %c0_i32_0 = arith.constant 0 : i32
    return %arg0, %c0_i32 : i32, i32
  }
  func.func @transform_1(%arg0: i32) -> (i32, i32, i32) {
    %c0_i32 = arith.constant 0 : i32
    %c0_i32_0 = arith.constant 0 : i32
    %c0_i32_1 = arith.constant 0 : i32
    return %c0_i32, %arg0, %c0_i32_0 : i32, i32, i32
  }
  func.func @transform_2(%arg0: i32) -> (i32, i32) {
    %c0_i32 = arith.constant 0 : i32
    %c0_i32_0 = arith.constant 0 : i32
    %c0_i32_1 = arith.constant 0 : i32
    return %c0_i32, %c0_i32_0 : i32, i32
  }
  func.func @transform_3(%arg0: i32) -> (i32, i32) {
    %c0_i32 = arith.constant 0 : i32
    %c0_i32_0 = arith.constant 0 : i32
    %c0_i32_1 = arith.constant 0 : i32
    return %c0_i32, %c0_i32_0 : i32, i32
  }
  func.func @transform_4(%arg0: i32) -> (i32, i32) {
    %c0_i32 = arith.constant 0 : i32
    %c0_i32_0 = arith.constant 0 : i32
    return %arg0, %c0_i32 : i32, i32
  }
}

</mosaic_0001>

<sc_bundles>
// kernel: kernel.4.cloned.1.call-start
scs
__scs_entry_jumppad:
0x0: {  	(pc) =	sbr.rel $0x88, $3  }
0x1: {  	(tag) =	ssettag $0x0;
	lr =	simm.s32 $0x1  }
0x2: {  	[smem:$0x3F9D] =	sst lr;
	_ =	strace $0xD0000000  }
0x3: {  	_ = 	snop  }
0x4: {  	_ = 	snop  }
0x5: {  	_ = 	snop  }
0x6: {  	_ = 	snop  }
0x7: {  	_ = 	snop  }
__scs_overlays_trampoline_lowered:
0x8: {  	[smem:$0x3FAC] =	sst s0  }
0x9: {  	[smem:$0x3FAD] =	sst s1  }
0xa: {  	[smem:$0x3FAE] =	sst s2  }
0xb: {  	[smem:$0x3FAF] =	sst s3  }
0xc: {  	[smem:$0x3FB0] =	sst s4  }
0xd: {  	[smem:$0x3FB1] =	sst s5  }
0xe: {  	[smem:$0x3FB2] =	sst s6  }
0xf: {  	[smem:$0x3FB3] =	sst s7  }
0x10: {  	[smem:$0x3FB4] =	sst s8  }
0x11: {  	[smem:$0x3FB5] =	sst s9;
	s0 =	simm.s32 @!p0 $0x0  }
0x12: {  	s1 =	sld [smem:$0x3F9B];
	s0 =	simm.s32 @p0 $0x1  }
0x13: {  	[smem:$0x3FB6] =	sst s0;
	s0 =	simm.s32 @!p1 $0x0  }
0x14: {  	s2 =	sld [smem:$0x3F9A];
	s0 =	simm.s32 @p1 $0x1  }
0x15: {  	[smem:$0x3FB7] =	sst s0;
	s0 =	simm.s32 @!p2 $0x0  }
0x16: {  	s3 =	sld [smem:$0x3FDB];
	s0 =	simm.s32 @p2 $0x1  }
0x17: {  	s4 =	simm.s32 $0x1BF5;
	[smem:$0x3FB9] =	sst s0  }
0x18: {  	s0 =	sld [smem:$0x3F9C];
	_ =	swait.ge [sflag:s4], $0x0  }
0x19: {  	s7 =	sld [smem:$0x3F9D]  }
0x1a: {  	s8 =	sadd.s32 $0xFFFFE003, lr  }
0x1b: {  	s9 =	sadd.s32 $0xFFFFFEF7, lr;
	s5 =	simm.s32 $0xFFFFFFFF;
	p2 =	slt.u32 s8, $0xFFFFF086  }
0x1c: {  	p1 =	slt.u32 s9, $0xF7A;
	s5 =	simm.s32 @!p2 $0x0  }
0x1d: {  	s5 =	simm.s32 @p1 $0x1;
	p0 =	seq.s32 s7, s2  }
0x1e: {  	s7 =	smul.u32 @!p0 $0xF7A, s2;
	p2 =	seq.s32 @!p0 s5, $0x0  }
0x1f: {  	s9 =	smul.u32 $0xF7A, s1;
	s8 =	simm.s32 @!p0 $0x1BF5;
	p2 =	por !p2, p0  }
0x20: {  	[sflag:s8] =	ssyncset.s32 @!p0 $0xFFFFF086;
	s6 =	sadd.s32 @!p0 s3, s7;
	s7 =	simm.s32 @!p0 $0x108  }
0x21: {  	s3 =	sadd.s32 s3, s9;
	s6 =	sadd.s32 @!p0 $0x88, s6;
	s7 =	simm.s32 @p2 $0x1082  }
0x22: {  	[simem:s7], [sflag:s8] =	dma.local @!p0 [hbm:s6], $0xF7A  }
0x23: {  	s9 =	sor.u32 $0xD0000000, s2;
	s6 =	simm.s32 $0x108;
	_ =	swait.ge @!p0 [sflag:s8], $0x0  }
0x24: {  	s3 =	sadd.s32 $0x88, s3;
	s6 =	simm.s32 @!p1 $0x1082;
	[sflag:s4] =	ssyncset.s32 $0xFFFFF086  }
0x25: {  	[simem:s6], [sflag:s4] =	dma.local [hbm:s3], $0xF7A  }
0x26: {  	[smem:$0x3F9D] =	sst s1;
	(tag) =	ssettag s2;
	_ =	strace s9  }
0x27: {  	s1 =	sld [smem:$0x3FAD]  }
0x28: {  	s2 =	sld [smem:$0x3FAE]  }
0x29: {  	s4 =	sld [smem:$0x3FB0]  }
0x2a: {  	p0 =	seq.s32 s5, $0x0;
	s5 =	sld [smem:$0x3FB1]  }
0x2b: {  	s6 =	sld [smem:$0x3FB2]  }
0x2c: {  	s7 =	sld [smem:$0x3FB3]  }
0x2d: {  	s3 =	simm.s32 $0x108;
	s8 =	sld [smem:$0x3FB4]  }
0x2e: {  	s3 =	simm.s32 @!p0 $0x1082;
	s9 =	sld [smem:$0x3FB5]  }
0x2f: {  	lr =	sadd.s32 s0, s3;
	s0 =	sld [smem:$0x3FAC]  }
0x30: {  	s3 =	sld [smem:$0x3FAF]  }
0x31: {  	[smem:$0x3FB8] =	sst s10  }
0x32: {  	s10 =	sld [smem:$0x3FB6];
	_ =	sdelay $0x3  }
0x33: {  	p0 =	seq.s32 s10, $0x1;
	s10 =	sld [smem:$0x3FB8];
	_ =	sdelay $0x3  }
0x34: {  	[smem:$0x3FB8] =	sst s10  }
0x35: {  	s10 =	sld [smem:$0x3FB7];
	_ =	sdelay $0x3  }
0x36: {  	p1 =	seq.s32 s10, $0x1;
	s10 =	sld [smem:$0x3FB8];
	_ =	sdelay $0x3  }
0x37: {  	[smem:$0x3FB8] =	sst s10  }
0x38: {  	s10 =	sld [smem:$0x3FB9]  }
0x39: {  	_ = 	snop;
	(pc) =	sbr.ind lr, $3  }
0x3a: {  	_ = 	snop  }
0x3b: {  	_ = 	snop  }
0x3c: {  	p2 =	seq.s32 s10, $0x1;
	s10 =	sld [smem:$0x3FB8]  }
0x3d: {  	_ =	shalt  }
0x3e: {  	_ =	shalt  }
0x3f: {  	_ =	shalt  }
0x40: {  	_ =	shalt  }
0x41: {  	_ =	shalt  }
0x42: {  	_ =	shalt  }
0x43: {  	_ =	shalt  }
0x44: {  	_ =	shalt  }
0x45: {  	_ =	shalt  }
0x46: {  	_ =	shalt  }
0x47: {  	_ =	shalt  }
0x48: {  	_ =	shalt  }
0x49: {  	_ =	shalt  }
0x4a: {  	_ =	shalt  }
0x4b: {  	_ =	shalt  }
0x4c: {  	_ =	shalt  }
0x4d: {  	_ =	shalt  }
0x4e: {  	_ =	shalt  }
0x4f: {  	_ =	shalt  }
0x50: {  	_ =	shalt  }
0x51: {  	_ =	shalt  }
0x52: {  	_ =	shalt  }
0x53: {  	_ =	shalt  }
0x54: {  	_ =	shalt  }
0x55: {  	_ =	shalt  }
0x56: {  	_ =	shalt  }
0x57: {  	_ =	shalt  }
0x58: {  	_ =	shalt  }
0x59: {  	_ =	shalt  }
0x5a: {  	_ =	shalt  }
0x5b: {  	_ =	shalt  }
0x5c: {  	_ =	shalt  }
0x5d: {  	_ =	shalt  }
0x5e: {  	_ =	shalt  }
0x5f: {  	_ =	shalt  }
0x60: {  	_ =	shalt  }
0x61: {  	_ =	shalt  }
0x62: {  	_ =	shalt  }
0x63: {  	_ =	shalt  }
0x64: {  	_ =	shalt  }
0x65: {  	_ =	shalt  }
0x66: {  	_ =	shalt  }
0x67: {  	_ =	shalt  }
0x68: {  	_ =	shalt  }
0x69: {  	_ =	shalt  }
0x6a: {  	_ =	shalt  }
0x6b: {  	_ =	shalt  }
0x6c: {  	_ =	shalt  }
0x6d: {  	_ =	shalt  }
0x6e: {  	_ =	shalt  }
0x6f: {  	_ =	shalt  }
0x70: {  	_ =	shalt  }
0x71: {  	_ =	shalt  }
0x72: {  	_ =	shalt  }
0x73: {  	_ =	shalt  }
0x74: {  	_ =	shalt  }
0x75: {  	_ =	shalt  }
0x76: {  	_ =	shalt  }
0x77: {  	_ =	shalt  }
0x78: {  	_ =	shalt  }
0x79: {  	_ =	shalt  }
0x7a: {  	_ =	shalt  }
0x7b: {  	_ =	shalt  }
0x7c: {  	_ =	shalt  }
0x7d: {  	_ =	shalt  }
0x7e: {  	_ =	shalt  }
0x7f: {  	_ =	shalt  }
0x80: {  	_ =	shalt  }
0x81: {  	_ =	shalt  }
0x82: {  	_ =	shalt  }
0x83: {  	_ =	shalt  }
0x84: {  	_ =	shalt  }
0x85: {  	_ =	shalt  }
0x86: {  	_ =	shalt  }
0x87: {  	_ =	shalt  }
.Lfunc_end0:
.L_simem_size_0:
called_computation_lowered:
.L_overlay_start_0:
0x88: {  	s2 =	sld [smem:$0x3FD9]  }
0x89: {  	s3 =	sld [smem:$0x3FFE];
	_ =	sdelay $0x1  }
0x8a: {  	s1 =	srdreg.scid  }
0x8b: {  	s0 =	sand.u32 $0x1, s1  }
0x8c: {  	s17 =	sshll.u32 s0, $0xA;
	s2 =	sadd.s32 s3, s2  }
0x8d: {  	s2 =	sadd.s32 s2, s17  }
0x8e: {  	[smem:$0x3FC4] =	sst s2  }
0x8f: {  	_ = 	snop  }
0x90: {  	s2 =	sld [smem:$0x3FD0];
	(tm) =	ssettm $0x1  }
0x91: {  	s18 =	sld [smem:$0x3FFB];
	_ =	sdelay $0x3  }
0x92: {  	_ =	strace s18  }
0x93: {  	s3 =	sld [smem:$0x3FFC];
	_ =	sdelay $0x3  }
0x94: {  	_ =	strace s3  }
0x95: {  	s3 =	sld [smem:$0x3FFD];
	_ =	sdelay $0x3  }
0x96: {  	_ =	strace s3  }
0x97: {  	_ =	strace $0x8FFFFFFF  }
0x98: {  	s19 =	sld [smem:$0x3FDB];
	_ =	sdelay $0x1  }
0x99: {  	s4 =	simm.s32 $_scs_section_size  }
0x9a: {  	s5 =	simm.s32 $_size__tile_overlayer_lowered;
	s6 =	simm.s32 $_tile_overlayer_lowered  }
0x9b: {  	s22 =	simm.s32 $0x1BFF;
	s21 =	sshll.u32 s6, $0x1;
	s3 =	sadd.s32 s4, s19  }
0x9c: {  	s7 =	simm.s32 $0x0;
	s20 =	sshll.u32 s5, $0x1;
	s5 =	sadd.s32 s21, s3  }
0x9d: {  	[timem:s7], [sflag:s22] =	dma.local [hbm:s5], s20  }
0x9e: {  	_ =	swait.ge [sflag:s22], s20  }
0x9f: {  	s4 =	ssub.s32 $0x0, s20;
	[sflag:s22] =	ssyncset.done $0x0  }
0xa0: {  	[sflag:s22] =	ssyncadd.s32 s4;
	_ =	sdelay $0x1  }
0xa1: {  	s23 =	simm.s32 $0x1B8B  }
0xa2: {  	_ =	swait.ge [sflag:s23], $0x1  }
0xa3: {  	[sflag:s23] =	ssyncset.done $0x0  }
0xa4: {  	s25 =	simm.s32 $0x1B8E;
	s24 =	sld [smem:$0x3FFE];
	[sflag:s23] =	ssyncadd.s32 $0xFFFFFFFF  }
0xa5: {  	s26 =	simm.s32 $execute0_lowered;
	[smem:$0x3FD2] =	sst s25  }
0xa6: {  	s5 =	sshll.u32 s26, $0x1;
	_ =	strace $0x80000046;
	[dreg:$0x1] =	wrdreg $0xFFFFFFFF  }
0xa7: {  	s28 =	simm.s32 $_size_execute0_lowered;
	s3 =	sadd.s32 s3, s5;
	[dreg:$0x0] =	wrdreg $0x0  }
0xa8: {  	s5 =	sshll.u32 s28, $0x1;
	[dreg:$0x2] =	wrdreg s3  }
0xa9: {  	[dreg:$0x3] =	wrdreg s5  }
0xaa: {  	[dreg:$0x4] =	wrdreg $0xC0  }
0xab: {  	_ =	task [dreg:s7], $0x5FFFF  }
0xac: {  	[dreg:$0x1] =	wrdreg $0xFFFFFFFF  }
0xad: {  	[dreg:$0x0] =	wrdreg $0x60  }
0xae: {  	[dreg:$0x2] =	wrdreg s24  }
0xaf: {  	[dreg:$0x3] =	wrdreg s2  }
0xb0: {  	[dreg:$0x4] =	wrdreg $0x64000  }
0xb1: {  	[dreg:$0x5] =	wrdreg $0x127500  }
0xb2: {  	[dreg:$0x6] =	wrdreg $0x9  }
0xb3: {  	_ =	task.clear_ibuf [dreg:s7], $0x7FFFF;
	_ =	strace $0x90000046  }
0xb4: {  	s29 =	simm.s32 $0x9;
	_ =	strace $0x80000048  }
0xb5: {  	_ =	swait.ge [sflag:s29], $0x1  }
0xb6: {  	[sflag:s29] =	ssyncadd.s32 $0xFFFFFFFF  }
0xb7: {  	_ =	strace $0x90000048  }
0xb8: {  	_ =	sfence  }
0xb9: {  	s30 =	sld [smem:$0x0];
	_ =	sdelay $0x2  }
0xba: {  	s31 =	sshll.u32 s1, $0xD;
	s1 =	sshrl.u32 s1, $0x2  }
0xbb: {  	s3 =	sand.u32 $0x4000, s31;
	s1 =	sadd.s32 s1, s30  }
0xbc: {  	s0 =	sor.u32 s3, s0;
	s1 =	sshll.u32 s1, $0x11  }
0xbd: {  	s0 =	sor.u32 s1, s0  }
0xbe: {  	s0 =	sadd.s32 $0x8F2B, s0  }
0xbf: {  	[sflag:s0] =	ssyncadd.remote.s32 $0x1  }
0xc0: {  	_ =	sfence.sel $0xFFFF  }
0xc1: {  	[dreg:$0x0] =	wrdreg $0xFFFFFFFF;
	(pc) =	sbr.abs _section_cstart, $3  }
0xc2: {  	[dreg:$0x1] =	wrdreg $0xFFFFFFFF  }
0xc3: {  	_ =	task.clear_ibuf [dreg:s7], $0x2FFFF;
	_ =	strace $0x9FFFFFFF  }
0xc4: {  	(tm) =	ssettm $0x7FFFFFFF  }
0xc5: {  	_ =	shalt  }
tec
execute0_lowered:
.L_overlay_start_1:
0x0: {  	(tag) =	ssettag $0x1  }
0x1: {  	s0 =	rddreg [dreg:$0x0]  }
0x2: {  	s1 =	rddreg [dreg:$0x1]  }
0x3: {  	s3 =	rddreg [dreg:$0x2]  }
0x4: {  	s4 =	rddreg [dreg:$0x3]  }
0x5: {  	s2 =	srdreg.scid;
	s13 =	stileid.u32;
	s5 =	simm.s32 $0x0  }
0x6: {  	s28 =	simm.s32 $0xA00;
	s29 =	simm.s32 $0x40;
	s30 =	simm.s32 $0x2800  }
0x7: {  	s31 =	simm.s32 $0x80;
	s2 =	sand.u32 $0x1, s2;
	s7 =	smul.u32 $0xC800, s13  }
0x8: {  	[smem:$0x7FF] =	sst s5;
	s8 =	sadd.s32 $0x800, s0;
	s14 =	smul.u32 $0x5000, s13  }
0x9: {  	p0 =	seq.s32 s13, $0xF;
	s6 =	smul.u32 $0xC8000, s2;
	s10 =	ssub.s32 $0x2, s2  }
0xa: {  	_ =	strace $0x80000047;
	s2 =	smul.u32 $0xC3500, s2;
	s11 =	sshrl.u32 s10, $0x1  }
0xb: {  	s15 =	sshrl.u32 s14, $0x2;
	s16 =	sadd.s32 s7, s4;
	s14 =	simm.s32 $0x1300  }
0xc: {  	s9 =	sadd.s32 s7, s6;
	s6 =	sadd.s32 $0x31600, s0;
	s10 =	ssub.s32 s10, s11  }
0xd: {  	s12 =	sadd.s32 s7, s2;
	s11 =	sadd.s32 s15, s4;
	s17 =	smax.u32 s10, $0x1  }
0xe: {  	s2 =	sshrl.u32 s2, $0x3;
	s18 =	sadd.s32 $0x14000, s11;
	[dreg:$0x8] =	wrdreg s17  }
0xf: {  	s15 =	simm.s32 $0x9C0;
	s19 =	sadd.s32 $0x28000, s11;
	[dreg:$0x9] =	wrdreg s18  }
0x10: {  	s9 =	sshrl.u32 s9, $0x3;
	s20 =	sadd.s32 $0x3C000, s11;
	[dreg:$0xa] =	wrdreg s19  }
0x11: {  	s2 =	sadd.s32 s8, s2;
	s21 =	sadd.s32 $0x50000, s11;
	[dreg:$0xb] =	wrdreg s20  }
0x12: {  	s22 =	sadd.s32 $0x64000, s11;
	s23 =	sadd.s32 $0x78000, s11;
	[dreg:$0xc] =	wrdreg s21  }
0x13: {  	s24 =	sadd.s32 $0x8C000, s11;
	s25 =	sadd.s32 $0xA0000, s11;
	[dreg:$0xd] =	wrdreg s22  }
0x14: {  	s26 =	sadd.s32 $0xB4000, s11;
	s10 =	simm.s32 $0x2;
	[dreg:$0xe] =	wrdreg s23  }
0x15: {  	s0 =	sadd.s32 s9, s0;
	s9 =	sshrl.u32 s12, $0x3;
	[dreg:$0xf] =	wrdreg s24  }
0x16: {  	s12 =	sadd.s32 s7, s3;
	s2 =	sadd.s32 $0x17700, s2;
	[dreg:$0x10] =	wrdreg s25  }
0x17: {  	[dreg:$0x11] =	wrdreg s26;
	s24 =	simm.s32 $0x1400;
	s25 =	sshrl.u32 s16, $0x3  }
0x18: {  	s26 =	simm.s32 $0x6;
	s7 =	simm.s32 $0x5;
	s16 =	simm.s32 $0x1340  }
0x19: {  	s17 =	simm.s32 $0x1380;
	s9 =	sadd.s32 s8, s9;
	[dreg:$0x6] =	wrdreg s2  }
0x1a: {  	s18 =	simm.s32 $0x13C0;
	s0 =	sadd.s32 $0x3B600, s0;
	[dreg:$0x5] =	wrdreg s9  }
0x1b: {  	s8 =	sadd.s32 $0xBB800, s3;
	s9 =	smul.u32 $0x140, s13;
	[dreg:$0x7] =	wrdreg s0  }
0x1c: {  	s2 =	sshrl.u32 @p0 s8, $0x3;
	s0 =	simm.s32 $0x3C00;
	s8 =	simm.s32 $0x5000  }
0x1d: {  	s13 =	simm.s32 $0x4;
	[dreg:$0x12] =	wrdreg s2;
	s2 =	sshrl.u32 @!p0 s12, $0x3  }
0x1e: {  	v0 =	vimm.f32 $0.0e+00;
	s12 =	simm.s32 $0x3;
	[dreg:$0x13] =	wrdreg s2;
	s2 =	simm.s32 $0x1  }
.LBB2_1:
0x1f: {  	s20 =	rddreg [dreg:$0x6]  }
0x20: {  	s19 =	simm.s32 @p0 $0x1FC6;
	s21 =	rddreg [dreg:$0x12]  }
0x21: {  	[spmem:s21], [sflag:s19] =	dma.local @p0 [hbm:s20], $0xFA0  }
0x22: {  	s19 =	simm.s32 @p0 $0x6  }
0x23: {  	s20 =	stileid.u32;
	_ =	swait.ge @p0 [sflag:s19], $0xFA0  }
0x24: {  	s20 =	sshll.u32 @!p0 s20, $0x6;
	[sflag:s19] =	ssyncset.done @p0 $0x0;
	s21 =	rddreg [dreg:$0x13]  }
0x25: {  	[sflag:s19] =	ssyncadd.s32 @p0 $0xFFFFF060;
	s19 =	sor.u32 @!p0 $0x1C06, s20;
	s20 =	rddreg [dreg:$0x5]  }
0x26: {  	[spmem:s21], [sflag:s19] =	dma.local @!p0 [hbm:s20], $0x1900  }
0x27: {  	s20 =	simm.s32 @!p0 $0x6  }
0x28: {  	_ =	swait.ge @!p0 [sflag:s20], $0x1900  }
0x29: {  	s19 =	simm.s32 @!p0 $0x0;
	[sflag:s20] =	ssyncset.done @!p0 $0x0  }
0x2a: {  	s19 =	simm.s32 @p0 $0x0;
	[sflag:s20] =	ssyncadd.s32 @!p0 $0xFFFFE700  }
.LBB2_2:
0x2b: {  	s20 =	smul.u32 $0xCCCD, s19;
	_ =	sdelay $0x1  }
0x2c: {  	s20 =	sshrl.u32 s20, $0x12  }
0x2d: {  	s21 =	smul.u32 $0x5, s20  }
0x2e: {  	p1 =	seq.s32 s19, $0x13F;
	s20 =	smul.u32 $0x140, s20  }
.Ltmp0:
0x2f: {  	s21 =	ssub.s32 s19, s21;
	(pc) =	sbr.rel @!p1 .LBB2_2-.Ltmp0, $4  }
0x30: {  	s21 =	sand.u32 $0xFFFF, s21  }
0x31: {  	s20 =	sshrl.u32 s20, $0x2;
	s21 =	sshll.u32 s21, $0x4  }
0x32: {  	s20 =	sadd.s32 s21, s20  }
0x33: {  	s19 =	sadd.s32 $0x1, s19;
	[tilespmem:s20+$0x1400] =	vst v0  }
0x34: {  	[spmem:s11] =	stream.linear.scatter [tilespmem:s24], [sflag:$0x6], $0x1400, $0x38;
	[tilespmem:$0x1EF50] =	vst v63  }
0x35: {  	_ =	swait.ge [sflag:s26], $0x1400  }
0x36: {  	[sflag:s26] =	ssyncset.done $0x0  }
0x37: {  	s19 =	rddreg [dreg:$0x9];
	[sflag:s26] =	ssyncadd.s32 $0xFFFFEC00  }
0x38: {  	[spmem:s19] =	stream.linear.scatter [tilespmem:s24], [sflag:$0x6], $0x1400, $0x38;
	[tilespmem:$0x1EF50] =	vst v63  }
0x39: {  	_ =	swait.ge [sflag:s26], $0x1400  }
0x3a: {  	[sflag:s26] =	ssyncset.done $0x0  }
0x3b: {  	s20 =	rddreg [dreg:$0xa];
	[sflag:s26] =	ssyncadd.s32 $0xFFFFEC00  }
0x3c: {  	[spmem:s20] =	stream.linear.scatter [tilespmem:s24], [sflag:$0x6], $0x1400, $0x38;
	[tilespmem:$0x1EF50] =	vst v63  }
0x3d: {  	_ =	swait.ge [sflag:s26], $0x1400  }
0x3e: {  	[sflag:s26] =	ssyncset.done $0x0  }
0x3f: {  	s21 =	rddreg [dreg:$0xb];
	[sflag:s26] =	ssyncadd.s32 $0xFFFFEC00  }
0x40: {  	[spmem:s21] =	stream.linear.scatter [tilespmem:s24], [sflag:$0x6], $0x1400, $0x38;
	[tilespmem:$0x1EF50] =	vst v63  }
0x41: {  	_ =	swait.ge [sflag:s26], $0x1400  }
0x42: {  	[sflag:s26] =	ssyncset.done $0x0  }
0x43: {  	s22 =	rddreg [dreg:$0xc];
	[sflag:s26] =	ssyncadd.s32 $0xFFFFEC00  }
0x44: {  	[spmem:s22] =	stream.linear.scatter [tilespmem:s24], [sflag:$0x6], $0x1400, $0x38;
	[tilespmem:$0x1EF50] =	vst v63  }
0x45: {  	_ =	swait.ge [sflag:s26], $0x1400  }
0x46: {  	[sflag:s26] =	ssyncset.done $0x0  }
0x47: {  	s23 =	rddreg [dreg:$0xd];
	[sflag:s26] =	ssyncadd.s32 $0xFFFFEC00  }
0x48: {  	[spmem:s23] =	stream.linear.scatter [tilespmem:s24], [sflag:$0x6], $0x1400, $0x38;
	[tilespmem:$0x1EF50] =	vst v63  }
0x49: {  	_ =	swait.ge [sflag:s26], $0x1400  }
0x4a: {  	[sflag:s26] =	ssyncset.done $0x0  }
0x4b: {  	s20 =	rddreg [dreg:$0xe];
	[sflag:s26] =	ssyncadd.s32 $0xFFFFEC00  }
0x4c: {  	[spmem:s20] =	stream.linear.scatter [tilespmem:s24], [sflag:$0x6], $0x1400, $0x38;
	[tilespmem:$0x1EF50] =	vst v63  }
0x4d: {  	_ =	swait.ge [sflag:s26], $0x1400  }
0x4e: {  	[sflag:s26] =	ssyncset.done $0x0  }
0x4f: {  	s21 =	rddreg [dreg:$0xf];
	[sflag:s26] =	ssyncadd.s32 $0xFFFFEC00  }
0x50: {  	[spmem:s21] =	stream.linear.scatter [tilespmem:s24], [sflag:$0x6], $0x1400, $0x38;
	[tilespmem:$0x1EF50] =	vst v63  }
0x51: {  	_ =	swait.ge [sflag:s26], $0x1400  }
0x52: {  	[sflag:s26] =	ssyncset.done $0x0  }
0x53: {  	s22 =	rddreg [dreg:$0x10];
	[sflag:s26] =	ssyncadd.s32 $0xFFFFEC00  }
0x54: {  	[spmem:s22] =	stream.linear.scatter [tilespmem:s24], [sflag:$0x6], $0x1400, $0x38;
	[tilespmem:$0x1EF50] =	vst v63  }
0x55: {  	_ =	swait.ge [sflag:s26], $0x1400  }
0x56: {  	[sflag:s26] =	ssyncset.done $0x0  }
0x57: {  	s23 =	rddreg [dreg:$0x11];
	[sflag:s26] =	ssyncadd.s32 $0xFFFFEC00  }
0x58: {  	[spmem:s23] =	stream.linear.scatter [tilespmem:s24], [sflag:$0x6], $0x1400, $0x38;
	[tilespmem:$0x1EF50] =	vst v63  }
0x59: {  	_ =	swait.ge [sflag:s26], $0x1400  }
0x5a: {  	[sflag:s26] =	ssyncset.done $0x0  }
0x5b: {  	[sflag:s26] =	ssyncadd.s32 $0xFFFFEC00  }
0x5c: {  	s19 =	simm.s32 $0x0;
	s20 =	simm.s32 $0x0;
	[bflag:$0x0] =	sbarrier.arrive $0xFFFF  }
.LBB2_4:
0x5d: {  	s21 =	smul.u32 $0x28, s20;
	_ =	sdelay $0x1  }
0x5e: {  	s21 =	sadd.s32 s9, s21  }
0x5f: {  	s21 =	sshll.u32 s21, $0x3  }
0x60: {  	s22 =	sadd.s32 s1, s21  }
0x61: {  	[tilespmem:s19], [sflag:$0x6] =	stream.linear.gather [hbm4b:s22+s19], $0xA00, $0x38;
	[tilespmem:$0x1EF50] =	vst v63  }
0x62: {  	_ =	swait.ge [sflag:s26], $0xA00  }
0x63: {  	[sflag:s26] =	ssyncset.done $0x0  }
0x64: {  	s21 =	sadd.s32 s6, s21;
	[sflag:s26] =	ssyncadd.s32 $0xFFFFF600  }
0x65: {  	[tilespmem:s28], [sflag:$0x6] =	stream.linear.gather [hbm4b:s21+s19], $0xA00, $0x38;
	[tilespmem:$0x1EF50] =	vst v63  }
0x66: {  	_ =	swait.ge [sflag:s26], $0xA00  }
0x67: {  	[sflag:s26] =	ssyncset.done $0x0  }
0x68: {  	[sflag:s26] =	ssyncadd.s32 $0xFFFFF600  }
0x69: {  	[tilespmem:s24], [sflag:$0x1] =	stream.indirect.gather [spmem:s3], $0x50, s19, s29, $0xb8;
	[tilespmem:$0x1EF50] =	vst v63  }
0x6a: {  	_ = 	snop  }
0x6b: {  	[tilespmem:s30], [sflag:$0x2] =	stream.indirect.gather [spmem:s3], $0x50, s29, s29, $0xb8;
	[tilespmem:$0x1EF50] =	vst v63  }
0x6c: {  	_ = 	snop  }
0x6d: {  	[tilespmem:s0], [sflag:$0x3] =	stream.indirect.gather [spmem:s3], $0x50, s31, s29, $0xb8;
	[tilespmem:$0x1EF50] =	vst v63  }
0x6e: {  	_ =	swait.ge [sflag:s2], $0x1400  }
0x6f: {  	[sflag:s2] =	ssyncset.done $0x0  }
0x70: {  	s23 =	simm.s32 $0xA00;
	[sflag:s2] =	ssyncadd.s32 $0xFFFFEC00  }
0x71: {  	[spmem:s4] =	stream.indirect.scatter.add.f32 [tilespmem:s24], [sflag:$0x5], $0x50, s23, s29, $0xb8;
	[tilespmem:$0x1EF50] =	vst v63  }
0x72: {  	_ =	swait.ge [sflag:s7], $0x1400  }
0x73: {  	[sflag:s7] =	ssyncset.done $0x0  }
0x74: {  	s22 =	simm.s32 $0xC0;
	[sflag:s7] =	ssyncadd.s32 $0xFFFFEC00  }
0x75: {  	[tilespmem:s8], [sflag:$0x4] =	stream.indirect.gather [spmem:s3], $0x50, s22, s29, $0xb8;
	[tilespmem:$0x1EF50] =	vst v63  }
0x76: {  	_ =	swait.ge [sflag:s10], $0x1400  }
0x77: {  	[sflag:s10] =	ssyncset.done $0x0  }
0x78: {  	s23 =	simm.s32 $0xA40;
	[sflag:s10] =	ssyncadd.s32 $0xFFFFEC00  }
0x79: {  	[spmem:s4] =	stream.indirect.scatter.add.f32 [tilespmem:s30], [sflag:$0x5], $0x50, s23, s29, $0xb8;
	[tilespmem:$0x1EF50] =	vst v63  }
0x7a: {  	_ =	swait.ge [sflag:s7], $0x1400  }
0x7b: {  	[sflag:s7] =	ssyncset.done $0x0  }
0x7c: {  	s22 =	simm.s32 $0x100;
	[sflag:s7] =	ssyncadd.s32 $0xFFFFEC00  }
0x7d: {  	[tilespmem:s24], [sflag:$0x1] =	stream.indirect.gather [spmem:s3], $0x50, s22, s29, $0xb8;
	[tilespmem:$0x1EF50] =	vst v63  }
0x7e: {  	_ =	swait.ge [sflag:s12], $0x1400  }
0x7f: {  	[sflag:s12] =	ssyncset.done $0x0  }
0x80: {  	s23 =	simm.s32 $0xA80;
	[sflag:s12] =	ssyncadd.s32 $0xFFFFEC00  }
0x81: {  	[spmem:s4] =	stream.indirect.scatter.add.f32 [tilespmem:s0], [sflag:$0x5], $0x50, s23, s29, $0xb8;
	[tilespmem:$0x1EF50] =	vst v63  }
0x82: {  	_ =	swait.ge [sflag:s7], $0x1400  }
0x83: {  	[sflag:s7] =	ssyncset.done $0x0  }
0x84: {  	s22 =	simm.s32 $0x140;
	[sflag:s7] =	ssyncadd.s32 $0xFFFFEC00  }
0x85: {  	[tilespmem:s30], [sflag:$0x2] =	stream.indirect.gather [spmem:s3], $0x50, s22, s29, $0xb8;
	[tilespmem:$0x1EF50] =	vst v63  }
0x86: {  	_ =	swait.ge [sflag:s13], $0x1400  }
0x87: {  	[sflag:s13] =	ssyncset.done $0x0  }
0x88: {  	s23 =	simm.s32 $0xAC0;
	[sflag:s13] =	ssyncadd.s32 $0xFFFFEC00  }
0x89: {  	[spmem:s4] =	stream.indirect.scatter.add.f32 [tilespmem:s8], [sflag:$0x5], $0x50, s23, s29, $0xb8;
	[tilespmem:$0x1EF50] =	vst v63  }
0x8a: {  	_ =	swait.ge [sflag:s7], $0x1400  }
0x8b: {  	[sflag:s7] =	ssyncset.done $0x0  }
0x8c: {  	s21 =	simm.s32 $0x400;
	s22 =	simm.s32 $0x180;
	[sflag:s7] =	ssyncadd.s32 $0xFFFFEC00  }
.LBB2_5:
0x8d: {  	[tilespmem:s0], [sflag:$0x3] =	stream.indirect.gather [spmem:s3], $0x50, s22, s29, $0xb8;
	[tilespmem:$0x1EF50] =	vst v63  }
0x8e: {  	s22 =	smov.u32 s21  }
0x8f: {  	p1 =	sne.s32 s21, $0x2000;
	s21 =	sadd.s32 $0x400, s21;
	_ =	swait.ge [sflag:s2], $0x1400  }
0x90: {  	s22 =	sshra.s32 s22, $0x2;
	[sflag:s2] =	ssyncset.done $0x0  }
0x91: {  	s23 =	sadd.s32 $0xA00, s22;
	[sflag:s2] =	ssyncadd.s32 $0xFFFFEC00  }
0x92: {  	[spmem:s4] =	stream.indirect.scatter.add.f32 [tilespmem:s24], [sflag:$0x5], $0x50, s23, s29, $0xb8;
	[tilespmem:$0x1EF50] =	vst v63  }
0x93: {  	_ =	swait.ge [sflag:s7], $0x1400  }
0x94: {  	[sflag:s7] =	ssyncset.done $0x0  }
0x95: {  	s23 =	sadd.s32 $0xC0, s22;
	[sflag:s7] =	ssyncadd.s32 $0xFFFFEC00  }
0x96: {  	[tilespmem:s8], [sflag:$0x4] =	stream.indirect.gather [spmem:s3], $0x50, s23, s29, $0xb8;
	[tilespmem:$0x1EF50] =	vst v63  }
0x97: {  	_ =	swait.ge [sflag:s10], $0x1400  }
0x98: {  	[sflag:s10] =	ssyncset.done $0x0  }
0x99: {  	s23 =	sadd.s32 $0xA40, s22;
	[sflag:s10] =	ssyncadd.s32 $0xFFFFEC00  }
0x9a: {  	[spmem:s4] =	stream.indirect.scatter.add.f32 [tilespmem:s30], [sflag:$0x5], $0x50, s23, s29, $0xb8;
	[tilespmem:$0x1EF50] =	vst v63  }
0x9b: {  	_ =	swait.ge [sflag:s7], $0x1400  }
0x9c: {  	[sflag:s7] =	ssyncset.done $0x0  }
0x9d: {  	s23 =	sadd.s32 $0x100, s22;
	[sflag:s7] =	ssyncadd.s32 $0xFFFFEC00  }
0x9e: {  	[tilespmem:s24], [sflag:$0x1] =	stream.indirect.gather [spmem:s3], $0x50, s23, s29, $0xb8;
	[tilespmem:$0x1EF50] =	vst v63  }
0x9f: {  	_ =	swait.ge [sflag:s12], $0x1400  }
0xa0: {  	[sflag:s12] =	ssyncset.done $0x0  }
0xa1: {  	s23 =	sadd.s32 $0xA80, s22;
	[sflag:s12] =	ssyncadd.s32 $0xFFFFEC00  }
0xa2: {  	[spmem:s4] =	stream.indirect.scatter.add.f32 [tilespmem:s0], [sflag:$0x5], $0x50, s23, s29, $0xb8;
	[tilespmem:$0x1EF50] =	vst v63  }
0xa3: {  	_ =	swait.ge [sflag:s7], $0x1400  }
0xa4: {  	[sflag:s7] =	ssyncset.done $0x0  }
0xa5: {  	s23 =	sadd.s32 $0x140, s22;
	[sflag:s7] =	ssyncadd.s32 $0xFFFFEC00  }
0xa6: {  	[tilespmem:s30], [sflag:$0x2] =	stream.indirect.gather [spmem:s3], $0x50, s23, s29, $0xb8;
	[tilespmem:$0x1EF50] =	vst v63  }
0xa7: {  	_ =	swait.ge [sflag:s13], $0x1400  }
0xa8: {  	[sflag:s13] =	ssyncset.done $0x0  }
.Ltmp1:
0xa9: {  	s23 =	sadd.s32 $0xAC0, s22;
	[sflag:s13] =	ssyncadd.s32 $0xFFFFEC00;
	(pc) =	sbr.rel @p1 .LBB2_5-.Ltmp1, $4  }
0xaa: {  	[spmem:s4] =	stream.indirect.scatter.add.f32 [tilespmem:s8], [sflag:$0x5], $0x50, s23, s29, $0xb8;
	[tilespmem:$0x1EF50] =	vst v63  }
0xab: {  	_ =	swait.ge [sflag:s7], $0x1400  }
0xac: {  	[sflag:s7] =	ssyncset.done $0x0  }
0xad: {  	s22 =	sadd.s32 $0x180, s22;
	[sflag:s7] =	ssyncadd.s32 $0xFFFFEC00  }
0xae: {  	[tilespmem:s0], [sflag:$0x3] =	stream.indirect.gather [spmem:s3], $0x50, s22, s29, $0xb8;
	[tilespmem:$0x1EF50] =	vst v63  }
0xaf: {  	_ =	swait.ge [sflag:s2], $0x1400  }
0xb0: {  	[sflag:s2] =	ssyncset.done $0x0  }
0xb1: {  	[sflag:s2] =	ssyncadd.s32 $0xFFFFEC00  }
0xb2: {  	[spmem:s4] =	stream.indirect.scatter.add.f32 [tilespmem:s24], [sflag:$0x5], $0x50, s14, s29, $0xb8;
	[tilespmem:$0x1EF50] =	vst v63  }
0xb3: {  	_ =	swait.ge [sflag:s7], $0x1400  }
0xb4: {  	[sflag:s7] =	ssyncset.done $0x0  }
0xb5: {  	[sflag:s7] =	ssyncadd.s32 $0xFFFFEC00  }
0xb6: {  	[tilespmem:s8], [sflag:$0x4] =	stream.indirect.gather [spmem:s3], $0x50, s15, s29, $0xb8;
	[tilespmem:$0x1EF50] =	vst v63  }
0xb7: {  	_ =	swait.ge [sflag:s10], $0x1400  }
0xb8: {  	[sflag:s10] =	ssyncset.done $0x0  }
0xb9: {  	[sflag:s10] =	ssyncadd.s32 $0xFFFFEC00  }
0xba: {  	[spmem:s4] =	stream.indirect.scatter.add.f32 [tilespmem:s30], [sflag:$0x5], $0x50, s16, s29, $0xb8;
	[tilespmem:$0x1EF50] =	vst v63  }
0xbb: {  	_ =	swait.ge [sflag:s7], $0x1400  }
0xbc: {  	[sflag:s7] =	ssyncset.done $0x0  }
0xbd: {  	[sflag:s7] =	ssyncadd.s32 $0xFFFFEC00  }
0xbe: {  	_ =	swait.ge [sflag:s12], $0x1400  }
0xbf: {  	[sflag:s12] =	ssyncset.done $0x0  }
0xc0: {  	[sflag:s12] =	ssyncadd.s32 $0xFFFFEC00  }
0xc1: {  	[spmem:s4] =	stream.indirect.scatter.add.f32 [tilespmem:s0], [sflag:$0x5], $0x50, s17, s29, $0xb8;
	[tilespmem:$0x1EF50] =	vst v63  }
0xc2: {  	_ =	swait.ge [sflag:s7], $0x1400  }
0xc3: {  	[sflag:s7] =	ssyncset.done $0x0  }
0xc4: {  	[sflag:s7] =	ssyncadd.s32 $0xFFFFEC00  }
0xc5: {  	s20 =	sadd.s32 $0x1, s20;
	_ =	swait.ge [sflag:s13], $0x1400  }
0xc6: {  	p1 =	sne.s32 s20, $0x8;
	[sflag:s13] =	ssyncset.done $0x0  }
.Ltmp2:
0xc7: {  	[sflag:s13] =	ssyncadd.s32 $0xFFFFEC00;
	(pc) =	sbr.rel @p1 .LBB2_4-.Ltmp2, $4  }
0xc8: {  	[spmem:s4] =	stream.indirect.scatter.add.f32 [tilespmem:s8], [sflag:$0x5], $0x50, s18, s29, $0xb8;
	[tilespmem:$0x1EF50] =	vst v63  }
0xc9: {  	_ =	swait.ge [sflag:s7], $0x1400  }
0xca: {  	[sflag:s7] =	ssyncset.done $0x0  }
0xcb: {  	[sflag:s7] =	ssyncadd.s32 $0xFFFFEC00  }
0xcc: {  	s20 =	stileid.u32  }
0xcd: {  	[bflag:$0x0] =	sbarrier.arrive $0xFFFF;
	s19 =	sshll.u32 s20, $0x6  }
0xce: {  	s21 =	rddreg [dreg:$0x7];
	s19 =	sor.u32 $0x1C06, s19  }
0xcf: {  	[hbm:s21], [sflag:s19] =	dma.local [spmem:s25], $0x1900  }
0xd0: {  	_ =	swait.ge [sflag:s26], $0x1900  }
0xd1: {  	s5 =	sadd.s32 $0x1, s5;
	s23 =	rddreg [dreg:$0x8]  }
0xd2: {  	p1 =	sne.s32 s5, s23  }
.Ltmp3:
0xd3: {  	_ = 	snop;
	(pc) =	sbr.rel @p1 .LBB2_1-.Ltmp3, $3  }
0xd4: {  	_ =	sdelay $0x1  }
0xd5: {  	[sflag:s26] =	ssyncset.done $0x0  }
0xd6: {  	[sflag:s26] =	ssyncadd.s32 $0xFFFFE700  }
0xd7: {  	_ =	sfence.sel $0x180000  }
0xd8: {  	[bflag:$0x0] =	sbarrier.arrive $0xFFFF  }
0xd9: {  	_ =	strace $0x90000047  }
0xda: {  	[bflag:$0x2] =	sbarrier.arrive $0xFFFF  }
0xdb: {  	p0 =	sne.s32 s20, $0x0;
	s0 =	rddreg [dreg:$0x4]  }
0xdc: {  	s0 =	sadd.s32 @!p0 $0x100000, s0  }
0xdd: {  	[sflag:s0] =	ssyncadd.tile.s32 @!p0 $0x1;
	_ =	shalt  }
.Lfunc_end2:
_tile_overlayer_lowered:
.L_overlay_start_2:
0xde: {  	(tag) =	ssettag $0x2  }
0xdf: {  	s0 =	rddreg [dreg:$0x0];
	s2 =	stileid.u32  }
0xe0: {  	s1 =	rddreg [dreg:$0x1];
	p0 =	sne.s32 s2, $0x0  }
0xe1: {  	s3 =	rddreg [dreg:$0x2];
	[bflag:$0x3] =	sbarrier.arrive $0xFFFF;
	s2 =	simm.s32 @!p0 $0x1C06  }
0xe2: {  	[timem:s3], [sflag:s2] =	dma.local @!p0 [hbm:s0], s1  }
0xe3: {  	s0 =	simm.s32 @!p0 $0x6  }
0xe4: {  	_ =	swait.ge @!p0 [sflag:s0], s1  }
0xe5: {  	s1 =	ssub.s32 @!p0 $0x0, s1;
	[sflag:s0] =	ssyncset.done @!p0 $0x0  }
0xe6: {  	[sflag:s0] =	ssyncadd.s32 @!p0 s1  }
0xe7: {  	[bflag:$0x3] =	sbarrier.arrive $0xFFFF  }
0xe8: {  	_ =	shalt  }

</sc_bundles>
